<compile_context>
chip_gen: v7x
topology: tpu7x:2x2x1
jax: 0.10.2.dev20260603
libtpu: 0.0.44.dev20260713+nightly
codegen_flags: <defaults>
</compile_context>

<pallas_src>
import functools

import jax
import jax.numpy as jnp
from jax import lax
from jax.experimental import pallas as pl
from jax.experimental.pallas import tpu as pltpu
from jax.experimental.pallas import tpu_sc as plsc

POS_OFFSET = 2
NC = 2
NS = 16
NW = NC * NS
LANES = 16
CH = 8


@functools.partial(jax.jit, static_argnums=(4, 5))
def _embed_lookup(ids2, pos2, embed_tokens, embed_positions, n_tokens, d):
    rpw = n_tokens // NW
    nch = rpw // CH
    wps = ids2.shape[1] // rpw
    mesh = plsc.VectorSubcoreMesh(
        core_axis_name="c", subcore_axis_name="s",
        num_cores=NC, num_subcores=NS)

    @functools.partial(
        pl.kernel,
        out_type=jax.ShapeDtypeStruct((n_tokens, d), jnp.float32),
        mesh=mesh,
        scratch_types=[
            pltpu.VMEM((rpw,), jnp.int32),
            pltpu.VMEM((rpw,), jnp.int32),
            pltpu.VMEM((2, CH, d), jnp.float32),
            pltpu.VMEM((2, CH, d), jnp.float32),
            pltpu.VMEM((2, CH, d), jnp.float32),
            [pltpu.SemaphoreType.DMA] * 2,
            [pltpu.SemaphoreType.DMA] * 2,
            [pltpu.SemaphoreType.DMA] * 2,
        ],
    )
    def body(ids_hbm, pos_hbm, tok_tab, pos_tab, out_hbm,
             idx_t, idx_p, buf_t, buf_p, buf_o, sems_t, sems_p, sems_o):
        wid = lax.axis_index("s") * NC + lax.axis_index("c")
        brow = wid // wps
        bcol = (wid % wps) * rpw
        pltpu.sync_copy(ids_hbm.at[brow, pl.ds(bcol, rpw)], idx_t)
        pltpu.sync_copy(pos_hbm.at[brow, pl.ds(bcol, rpw)], idx_p)

        @pl.loop(0, rpw // LANES)
        def _(j):
            sl = pl.ds(pl.multiple_of(j * LANES, LANES), LANES)
            idx_p[sl] = idx_p[sl] + POS_OFFSET

        base = wid * rpw

        def g_desc(c, slot):
            off = pl.multiple_of(c * CH, CH)
            ct = pltpu.make_async_copy(
                tok_tab.at[idx_t.at[pl.ds(off, CH)]],
                buf_t.at[slot], sems_t[slot])
            cp = pltpu.make_async_copy(
                pos_tab.at[idx_p.at[pl.ds(off, CH)]],
                buf_p.at[slot], sems_p[slot])
            return ct, cp

        def o_desc(c, slot):
            off = pl.multiple_of(c * CH, CH)
            return pltpu.make_async_copy(
                buf_o.at[slot], out_hbm.at[pl.ds(base + off, CH)],
                sems_o[slot])

        def issue_g(c, slot):
            ct, cp = g_desc(c, slot)
            ct.start()
            cp.start()

        def add_chunk(slot):
            @plsc.parallel_loop(0, d // LANES, unroll=4)
            def _(i):
                off = pl.ds(pl.multiple_of(i * LANES, LANES), LANES)
                for r in range(CH):
                    buf_o[slot, r, off] = (
                        buf_t[slot, r, off] + buf_p[slot, r, off])

        issue_g(0, 0)
        issue_g(1, 1)

        def step(c, slot, first, last):
            ct, cp = g_desc(c, slot)
            ct.wait()
            cp.wait()

            @pl.when(jnp.logical_not(first))
            def _():
                o_desc(c - 2, slot).wait()

            add_chunk(slot)
            o_desc(c, slot).start()

            @pl.when(jnp.logical_not(last))
            def _():
                issue_g(c + 2, slot)

        @pl.loop(0, nch // 2)
        def _(i):
            a = pl.multiple_of(i * 2, 2)
            step(a, 0, i == 0, i == nch // 2 - 1)
            step(a + 1, 1, i == 0, i == nch // 2 - 1)

        o_desc(nch - 2, 0).wait()
        o_desc(nch - 1, 1).wait()

    return body(ids2, pos2, embed_tokens, embed_positions)


def kernel(input_ids, positions, embed_tokens, embed_positions):
    b, s = input_ids.shape
    d = embed_tokens.shape[1]
    n = b * s
    out = _embed_lookup(input_ids, positions, embed_tokens, embed_positions,
                        n, d)
    return out.reshape(b, s, d)

# --- scband reference (transcript-rebuilt; emitter-appended) ---
"""Pipeline reference for scband-optheader-6760278524296 (READ-ONLY COPY).

The authoritative reference and input builder live on the scoring server;
editing this copy changes nothing except your own understanding.
"""

import jax, jax.numpy as jnp
import numpy as np

VOCAB = 50272
D_MODEL = 2048
MAX_POS = 2048
POS_OFFSET = 2  # OPTLearnedPositionalEmbedding offset
B, S = 4, 2048


def setup_inputs(seed: int = 0) -> dict:
    key = jax.random.key(seed)
    k1, k2, k3, k4 = jax.random.split(key, 4)
    input_ids = jax.random.randint(k1, (B, S), 0, VOCAB, dtype=jnp.int64 if jax.config.jax_enable_x64 else jnp.int32)
    positions = jax.random.randint(k2, (B, S), 0, MAX_POS, dtype=jnp.int64 if jax.config.jax_enable_x64 else jnp.int32)
    embed_tokens = jax.random.normal(k3, (VOCAB, D_MODEL), dtype=jnp.float32) * 0.02
    embed_positions = jax.random.normal(k4, (MAX_POS + POS_OFFSET, D_MODEL), dtype=jnp.float32) * 0.02
    return {
        "input_ids": input_ids,
        "positions": positions,
        "embed_tokens": embed_tokens,
        "embed_positions": embed_positions,
    }


def reference(input_ids, positions, embed_tokens, embed_positions):
    # VocabParallelEmbedding lookup (full table here, no TP split)
    inputs_embeds = jnp.take(embed_tokens, input_ids, axis=0)
    # OPTLearnedPositionalEmbedding: lookup at positions + offset(=2)
    pos_embeds = jnp.take(embed_positions, positions + POS_OFFSET, axis=0)
    # word_embed_proj_dim == hidden_size -> project_in is None
    hidden_states = inputs_embeds + pos_embeds
    return hidden_states

if __name__ == "__main__":
    import jax
    _d = setup_inputs()
    print(jax.jit(kernel)(*tuple(_d.values())))

</pallas_src>

<mosaic_0001>
#map = affine_map<(d0, d1) -> (0, 0)>
module attributes {stable_mosaic.version = 14 : i64} {
  func.func @body(%arg0: i32, %arg1: i32, %arg2: memref<4x2048xi32, #tpu.memory_space<hbm>>, %arg3: memref<4x2048xi32, #tpu.memory_space<hbm>>, %arg4: memref<50272x2048xf32, #tpu.memory_space<hbm>>, %arg5: memref<2050x2048xf32, #tpu.memory_space<hbm>>, %arg6: memref<8192x2048xf32, #tpu.memory_space<hbm>>, %arg7: memref<256xi32, #tpu.memory_space<vmem>>, %arg8: memref<256xi32, #tpu.memory_space<vmem>>, %arg9: memref<2x8x2048xf32, #tpu.memory_space<vmem>>, %arg10: memref<2x8x2048xf32, #tpu.memory_space<vmem>>, %arg11: memref<2x8x2048xf32, #tpu.memory_space<vmem>>, %arg12: memref<!tpu.dma_semaphore, #tpu.memory_space<semaphore_mem>>, %arg13: memref<!tpu.dma_semaphore, #tpu.memory_space<semaphore_mem>>, %arg14: memref<!tpu.dma_semaphore, #tpu.memory_space<semaphore_mem>>, %arg15: memref<!tpu.dma_semaphore, #tpu.memory_space<semaphore_mem>>, %arg16: memref<!tpu.dma_semaphore, #tpu.memory_space<semaphore_mem>>, %arg17: memref<!tpu.dma_semaphore, #tpu.memory_space<semaphore_mem>>) attributes {dimension_semantics = [#tpu.dimension_semantics<core_parallel>, #tpu.dimension_semantics<subcore_parallel>], iteration_bounds = array<i64: 2, 16>, scalar_prefetch = 0 : i64, scratch_operands = 11 : i64, tpu.core_type = #tpu.core_type<sc_vector_subcore>, window_params = [{transform_indices = #map}, {transform_indices = #map}, {transform_indices = #map}, {transform_indices = #map}, {transform_indices = #map}]} {
    %mul3A = arith.constant 2 : i32
    %mul3A_0 = arith.muli %arg1, %mul3A : i32
    %add3A = arith.addi %mul3A_0, %arg0 : i32
    %jit3A = arith.constant 8 : i32
    %div3A = arith.divsi %add3A, %jit3A : i32
    %sign3A = arith.constant 0 : i32
    %sign3A_1 = arith.cmpi sgt, %add3A, %sign3A : i32
    %sign3A_2 = arith.extui %sign3A_1 : i1 to i32
    %sign3A_3 = arith.constant 0 : i32
    %sign3A_4 = arith.cmpi slt, %add3A, %sign3A_3 : i32
    %sign3A_5 = arith.extui %sign3A_4 : i1 to i32
    %sign3A_6 = arith.subi %sign3A_2, %sign3A_5 : i32
    %sign3A_7 = arith.constant 0 : i32
    %sign3A_8 = arith.cmpi sgt, %jit3A, %sign3A_7 : i32
    %sign3A_9 = arith.extui %sign3A_8 : i1 to i32
    %sign3A_10 = arith.constant 0 : i32
    %sign3A_11 = arith.cmpi slt, %jit3A, %sign3A_10 : i32
    %sign3A_12 = arith.extui %sign3A_11 : i1 to i32
    %sign3A_13 = arith.subi %sign3A_9, %sign3A_12 : i32
    %ne3A = arith.cmpi ne, %sign3A_6, %sign3A_13 : i32
    %rem3A = arith.remsi %add3A, %jit3A : i32
    %ne3A_14 = arith.constant 0 : i32
    %ne3A_15 = arith.cmpi ne, %rem3A, %ne3A_14 : i32
    %and3A = arith.andi %ne3A, %ne3A_15 : i1
    %sub3A = arith.constant 1 : i32
    %sub3A_16 = arith.subi %div3A, %sub3A : i32
    %select_n3A = arith.select %and3A, %sub3A_16, %div3A : i32
    %jit3A_17 = arith.constant 8 : i32
    %eq3A = arith.constant 0 : i32
    %eq3A_18 = arith.cmpi eq, %jit3A_17, %eq3A : i32
    %jit3A_19 = arith.constant 1 : i32
    %select_n3A_20 = arith.select %eq3A_18, %jit3A_19, %jit3A_17 : i32
    %rem3A_21 = arith.remsi %add3A, %select_n3A_20 : i32
    %ne3A_22 = arith.constant 0 : i32
    %ne3A_23 = arith.cmpi ne, %rem3A_21, %ne3A_22 : i32
    %lt3A = arith.constant 0 : i32
    %lt3A_24 = arith.cmpi slt, %rem3A_21, %lt3A : i32
    %lt3A_25 = arith.constant 0 : i32
    %lt3A_26 = arith.cmpi slt, %select_n3A_20, %lt3A_25 : i32
    %ne3A_27 = arith.xori %lt3A_24, %lt3A_26 : i1
    %and3A_28 = arith.andi %ne3A_27, %ne3A_23 : i1
    %add3A_29 = arith.addi %rem3A_21, %select_n3A_20 : i32
    %select_n3A_30 = arith.select %and3A_28, %add3A_29, %rem3A_21 : i32
    %mul3A_31 = arith.constant 256 : i32
    %mul3A_32 = arith.muli %select_n3A_30, %mul3A_31 : i32
    "tpu.region"() ({
      %run_scoped3A = tpu.sem_alloc : memref<!tpu.dma_semaphore, #tpu.memory_space<semaphore_mem>>
      %dma_start3A_113 = tpu.memref_slice %arg2[%select_n3A, %mul3A_32] : memref<4x2048xi32, #tpu.memory_space<hbm>> -> memref<1x256xi32, #tpu.memory_space<hbm>>
      %dma_start3A_114 = tpu.memref_squeeze %dma_start3A_113 : memref<1x256xi32, #tpu.memory_space<hbm>> -> memref<256xi32, #tpu.memory_space<hbm>>
      %dma_start3A_115 = tpu.memref_slice %arg2[%select_n3A, %mul3A_32] : memref<4x2048xi32, #tpu.memory_space<hbm>> -> memref<1x256xi32, #tpu.memory_space<hbm>>
      %dma_start3A_116 = tpu.memref_squeeze %dma_start3A_115 : memref<1x256xi32, #tpu.memory_space<hbm>> -> memref<256xi32, #tpu.memory_space<hbm>>
      tpu.enqueue_dma source(%dma_start3A_116 : memref<256xi32, #tpu.memory_space<hbm>>) target(%arg7 : memref<256xi32, #tpu.memory_space<vmem>>) target_semaphore(%run_scoped3A : memref<!tpu.dma_semaphore, #tpu.memory_space<semaphore_mem>>)
      %dma_wait3A_117 = tpu.memref_slice %arg2[%select_n3A, %mul3A_32] : memref<4x2048xi32, #tpu.memory_space<hbm>> -> memref<1x256xi32, #tpu.memory_space<hbm>>
      %dma_wait3A_118 = tpu.memref_squeeze %dma_wait3A_117 : memref<1x256xi32, #tpu.memory_space<hbm>> -> memref<256xi32, #tpu.memory_space<hbm>>
      %dma_wait3A_119 = tpu.memref_slice %arg2[%select_n3A, %mul3A_32] : memref<4x2048xi32, #tpu.memory_space<hbm>> -> memref<1x256xi32, #tpu.memory_space<hbm>>
      %dma_wait3A_120 = tpu.memref_squeeze %dma_wait3A_119 : memref<1x256xi32, #tpu.memory_space<hbm>> -> memref<256xi32, #tpu.memory_space<hbm>>
      tpu.wait_dma2 semaphore(%run_scoped3A : memref<!tpu.dma_semaphore, #tpu.memory_space<semaphore_mem>>) src(%dma_wait3A_120 : memref<256xi32, #tpu.memory_space<hbm>>) dst(%arg7 : memref<256xi32, #tpu.memory_space<vmem>>)
      tpu.yield
    }) : () -> ()
    "tpu.region"() ({
      %run_scoped3A = tpu.sem_alloc : memref<!tpu.dma_semaphore, #tpu.memory_space<semaphore_mem>>
      %dma_start3A_113 = tpu.memref_slice %arg3[%select_n3A, %mul3A_32] : memref<4x2048xi32, #tpu.memory_space<hbm>> -> memref<1x256xi32, #tpu.memory_space<hbm>>
      %dma_start3A_114 = tpu.memref_squeeze %dma_start3A_113 : memref<1x256xi32, #tpu.memory_space<hbm>> -> memref<256xi32, #tpu.memory_space<hbm>>
      %dma_start3A_115 = tpu.memref_slice %arg3[%select_n3A, %mul3A_32] : memref<4x2048xi32, #tpu.memory_space<hbm>> -> memref<1x256xi32, #tpu.memory_space<hbm>>
      %dma_start3A_116 = tpu.memref_squeeze %dma_start3A_115 : memref<1x256xi32, #tpu.memory_space<hbm>> -> memref<256xi32, #tpu.memory_space<hbm>>
      tpu.enqueue_dma source(%dma_start3A_116 : memref<256xi32, #tpu.memory_space<hbm>>) target(%arg8 : memref<256xi32, #tpu.memory_space<vmem>>) target_semaphore(%run_scoped3A : memref<!tpu.dma_semaphore, #tpu.memory_space<semaphore_mem>>)
      %dma_wait3A_117 = tpu.memref_slice %arg3[%select_n3A, %mul3A_32] : memref<4x2048xi32, #tpu.memory_space<hbm>> -> memref<1x256xi32, #tpu.memory_space<hbm>>
      %dma_wait3A_118 = tpu.memref_squeeze %dma_wait3A_117 : memref<1x256xi32, #tpu.memory_space<hbm>> -> memref<256xi32, #tpu.memory_space<hbm>>
      %dma_wait3A_119 = tpu.memref_slice %arg3[%select_n3A, %mul3A_32] : memref<4x2048xi32, #tpu.memory_space<hbm>> -> memref<1x256xi32, #tpu.memory_space<hbm>>
      %dma_wait3A_120 = tpu.memref_squeeze %dma_wait3A_119 : memref<1x256xi32, #tpu.memory_space<hbm>> -> memref<256xi32, #tpu.memory_space<hbm>>
      tpu.wait_dma2 semaphore(%run_scoped3A : memref<!tpu.dma_semaphore, #tpu.memory_space<semaphore_mem>>) src(%dma_wait3A_120 : memref<256xi32, #tpu.memory_space<hbm>>) dst(%arg8 : memref<256xi32, #tpu.memory_space<vmem>>)
      tpu.yield
    }) : () -> ()
    %scan3A = arith.constant 0 : i32
    %scan3A_33 = arith.constant 16 : i32
    %scan3A_34 = arith.addi %scan3A, %scan3A_33 : i32
    %scan3A_35 = arith.constant 1 : i32
    scf.for %scan3A_113 = %scan3A to %scan3A_34 step %scan3A_35  : i32 {
      %mul3A_114 = arith.constant 1 : i32
      %mul3A_115 = arith.muli %scan3A_113, %mul3A_114 : i32
      %add3A_116 = arith.constant 0 : i32
      %add3A_117 = arith.addi %add3A_116, %mul3A_115 : i32
      %mul3A_118 = arith.constant 16 : i32
      %mul3A_119 = arith.muli %add3A_117, %mul3A_118 : i32
      %multiple_of3A_120 = tpu.assume_multiple %mul3A_119, 16 : i32
      %get3A = arith.index_cast %multiple_of3A_120 : i32 to index
      %get3A_121 = tpu.vector_load %arg8[%get3A] {strides = array<i32>} : memref<256xi32, #tpu.memory_space<vmem>>, vector<16xi32>,
      %get3A_122 = vector.shape_cast %get3A_121 : vector<16xi32> to vector<16xi32>
      %add3A_123 = arith.constant 2 : i32
      %add3A_124 = vector.broadcast %add3A_123 : i32 to vector<16xi32>
      %add3A_125 = arith.addi %get3A_122, %add3A_124 : vector<16xi32>
      %swap3A = arith.index_cast %multiple_of3A_120 : i32 to index
      %swap3A_126 = tpu.vector_load %arg8[%swap3A] {strides = array<i32>} : memref<256xi32, #tpu.memory_space<vmem>>, vector<16xi32>,
      %swap3A_127 = vector.shape_cast %swap3A_126 : vector<16xi32> to vector<16xi32>
      %swap3A_128 = vector.shape_cast %add3A_125 : vector<16xi32> to vector<16xi32>
      tpu.vector_store %arg8[%swap3A], %swap3A_128 {strides = array<i32>} : memref<256xi32, #tpu.memory_space<vmem>>, vector<16xi32>,
    }
    %scan3A_36 = arith.constant 16 : i32
    %mul3A_37 = arith.constant 256 : i32
    %mul3A_38 = arith.muli %add3A, %mul3A_37 : i32
    %multiple_of3A = arith.constant 0 : i32
    %multiple_of3A_39 = tpu.assume_multiple %multiple_of3A, 8 : i32
    %dma_start3A = arith.constant 0 : i32
    %dma_start3A_40 = arith.constant 0 : i32
    %dma_start3A_41 = arith.constant 0 : i32
    %dma_start3A_42 = tpu.memref_slice %arg9[%dma_start3A, %dma_start3A_40, %dma_start3A_41] : memref<2x8x2048xf32, #tpu.memory_space<vmem>> -> memref<1x8x2048xf32, #tpu.memory_space<vmem>>
    %dma_start3A_43 = tpu.memref_squeeze %dma_start3A_42 : memref<1x8x2048xf32, #tpu.memory_space<vmem>> -> memref<8x2048xf32, #tpu.memory_space<vmem>>
    %dma_start3A_44 = tpu.memref_slice %arg7[%multiple_of3A_39] : memref<256xi32, #tpu.memory_space<vmem>> -> memref<8xi32, #tpu.memory_space<vmem>>
    %dma_start3A_45 = arith.constant 0 : i32
    %dma_start3A_46 = arith.constant 0 : i32
    %dma_start3A_47 = tpu.memref_slice %arg4[%dma_start3A_45, %dma_start3A_46] : memref<50272x2048xf32, #tpu.memory_space<hbm>> -> memref<50272x2048xf32, #tpu.memory_space<hbm>>
    tpu.enqueue_indirect_dma source(%dma_start3A_47 : memref<50272x2048xf32, #tpu.memory_space<hbm>>) target(%dma_start3A_43 : memref<8x2048xf32, #tpu.memory_space<vmem>>) offsets(%dma_start3A_44 : memref<8xi32, #tpu.memory_space<vmem>>) semaphore(%arg12 : memref<!tpu.dma_semaphore, #tpu.memory_space<semaphore_mem>>)
    %dma_start3A_48 = arith.constant 0 : i32
    %dma_start3A_49 = arith.constant 0 : i32
    %dma_start3A_50 = arith.constant 0 : i32
    %dma_start3A_51 = tpu.memref_slice %arg10[%dma_start3A_48, %dma_start3A_49, %dma_start3A_50] : memref<2x8x2048xf32, #tpu.memory_space<vmem>> -> memref<1x8x2048xf32, #tpu.memory_space<vmem>>
    %dma_start3A_52 = tpu.memref_squeeze %dma_start3A_51 : memref<1x8x2048xf32, #tpu.memory_space<vmem>> -> memref<8x2048xf32, #tpu.memory_space<vmem>>
    %dma_start3A_53 = tpu.memref_slice %arg8[%multiple_of3A_39] : memref<256xi32, #tpu.memory_space<vmem>> -> memref<8xi32, #tpu.memory_space<vmem>>
    %dma_start3A_54 = arith.constant 0 : i32
    %dma_start3A_55 = arith.constant 0 : i32
    %dma_start3A_56 = tpu.memref_slice %arg5[%dma_start3A_54, %dma_start3A_55] : memref<2050x2048xf32, #tpu.memory_space<hbm>> -> memref<2050x2048xf32, #tpu.memory_space<hbm>>
    tpu.enqueue_indirect_dma source(%dma_start3A_56 : memref<2050x2048xf32, #tpu.memory_space<hbm>>) target(%dma_start3A_52 : memref<8x2048xf32, #tpu.memory_space<vmem>>) offsets(%dma_start3A_53 : memref<8xi32, #tpu.memory_space<vmem>>) semaphore(%arg14 : memref<!tpu.dma_semaphore, #tpu.memory_space<semaphore_mem>>)
    %multiple_of3A_57 = arith.constant 8 : i32
    %multiple_of3A_58 = tpu.assume_multiple %multiple_of3A_57, 8 : i32
    %dma_start3A_59 = arith.constant 1 : i32
    %dma_start3A_60 = arith.constant 0 : i32
    %dma_start3A_61 = arith.constant 0 : i32
    %dma_start3A_62 = tpu.memref_slice %arg9[%dma_start3A_59, %dma_start3A_60, %dma_start3A_61] : memref<2x8x2048xf32, #tpu.memory_space<vmem>> -> memref<1x8x2048xf32, #tpu.memory_space<vmem>>
    %dma_start3A_63 = tpu.memref_squeeze %dma_start3A_62 : memref<1x8x2048xf32, #tpu.memory_space<vmem>> -> memref<8x2048xf32, #tpu.memory_space<vmem>>
    %dma_start3A_64 = tpu.memref_slice %arg7[%multiple_of3A_58] : memref<256xi32, #tpu.memory_space<vmem>> -> memref<8xi32, #tpu.memory_space<vmem>>
    %dma_start3A_65 = arith.constant 0 : i32
    %dma_start3A_66 = arith.constant 0 : i32
    %dma_start3A_67 = tpu.memref_slice %arg4[%dma_start3A_65, %dma_start3A_66] : memref<50272x2048xf32, #tpu.memory_space<hbm>> -> memref<50272x2048xf32, #tpu.memory_space<hbm>>
    tpu.enqueue_indirect_dma source(%dma_start3A_67 : memref<50272x2048xf32, #tpu.memory_space<hbm>>) target(%dma_start3A_63 : memref<8x2048xf32, #tpu.memory_space<vmem>>) offsets(%dma_start3A_64 : memref<8xi32, #tpu.memory_space<vmem>>) semaphore(%arg13 : memref<!tpu.dma_semaphore, #tpu.memory_space<semaphore_mem>>)
    %dma_start3A_68 = arith.constant 1 : i32
    %dma_start3A_69 = arith.constant 0 : i32
    %dma_start3A_70 = arith.constant 0 : i32
    %dma_start3A_71 = tpu.memref_slice %arg10[%dma_start3A_68, %dma_start3A_69, %dma_start3A_70] : memref<2x8x2048xf32, #tpu.memory_space<vmem>> -> memref<1x8x2048xf32, #tpu.memory_space<vmem>>
    %dma_start3A_72 = tpu.memref_squeeze %dma_start3A_71 : memref<1x8x2048xf32, #tpu.memory_space<vmem>> -> memref<8x2048xf32, #tpu.memory_space<vmem>>
    %dma_start3A_73 = tpu.memref_slice %arg8[%multiple_of3A_58] : memref<256xi32, #tpu.memory_space<vmem>> -> memref<8xi32, #tpu.memory_space<vmem>>
    %dma_start3A_74 = arith.constant 0 : i32
    %dma_start3A_75 = arith.constant 0 : i32
    %dma_start3A_76 = tpu.memref_slice %arg5[%dma_start3A_74, %dma_start3A_75] : memref<2050x2048xf32, #tpu.memory_space<hbm>> -> memref<2050x2048xf32, #tpu.memory_space<hbm>>
    tpu.enqueue_indirect_dma source(%dma_start3A_76 : memref<2050x2048xf32, #tpu.memory_space<hbm>>) target(%dma_start3A_72 : memref<8x2048xf32, #tpu.memory_space<vmem>>) offsets(%dma_start3A_73 : memref<8xi32, #tpu.memory_space<vmem>>) semaphore(%arg15 : memref<!tpu.dma_semaphore, #tpu.memory_space<semaphore_mem>>)
    %scan3A_77 = arith.constant 0 : i32
    %scan3A_78 = arith.constant 16 : i32
    %scan3A_79 = arith.addi %scan3A_77, %scan3A_78 : i32
    %scan3A_80 = arith.constant 1 : i32
    scf.for %scan3A_113 = %scan3A_77 to %scan3A_79 step %scan3A_80  : i32 {
      %mul3A_114 = arith.constant 1 : i32
      %mul3A_115 = arith.muli %scan3A_113, %mul3A_114 : i32
      %add3A_116 = arith.constant 0 : i32
      %add3A_117 = arith.addi %add3A_116, %mul3A_115 : i32
      %mul3A_118 = arith.constant 2 : i32
      %mul3A_119 = arith.muli %add3A_117, %mul3A_118 : i32
      %multiple_of3A_120 = tpu.assume_multiple %mul3A_119, 2 : i32
      %eq3A_121 = arith.constant 0 : i32
      %eq3A_122 = arith.cmpi eq, %add3A_117, %eq3A_121 : i32
      %eq3A_123 = arith.constant 15 : i32
      %eq3A_124 = arith.cmpi eq, %add3A_117, %eq3A_123 : i32
      %mul3A_125 = arith.constant 8 : i32
      %mul3A_126 = arith.muli %multiple_of3A_120, %mul3A_125 : i32
      %multiple_of3A_127 = tpu.assume_multiple %mul3A_126, 8 : i32
      %dma_wait3A_128 = arith.constant 0 : i32
      %dma_wait3A_129 = arith.constant 0 : i32
      %dma_wait3A_130 = arith.constant 0 : i32
      %dma_wait3A_131 = tpu.memref_slice %arg9[%dma_wait3A_128, %dma_wait3A_129, %dma_wait3A_130] : memref<2x8x2048xf32, #tpu.memory_space<vmem>> -> memref<1x8x2048xf32, #tpu.memory_space<vmem>>
      %dma_wait3A_132 = tpu.memref_squeeze %dma_wait3A_131 : memref<1x8x2048xf32, #tpu.memory_space<vmem>> -> memref<8x2048xf32, #tpu.memory_space<vmem>>
      %dma_wait3A_133 = tpu.memref_slice %arg7[%multiple_of3A_127] : memref<256xi32, #tpu.memory_space<vmem>> -> memref<8xi32, #tpu.memory_space<vmem>>
      %dma_wait3A_134 = arith.constant 0 : i32
      %dma_wait3A_135 = arith.constant 0 : i32
      %dma_wait3A_136 = tpu.memref_slice %arg4[%dma_wait3A_134, %dma_wait3A_135] : memref<50272x2048xf32, #tpu.memory_space<hbm>> -> memref<50272x2048xf32, #tpu.memory_space<hbm>>
      tpu.wait_indirect_dma semaphore(%arg12 : memref<!tpu.dma_semaphore, #tpu.memory_space<semaphore_mem>>) src(%dma_wait3A_136 : memref<50272x2048xf32, #tpu.memory_space<hbm>>) dst(%dma_wait3A_132 : memref<8x2048xf32, #tpu.memory_space<vmem>>)
      %dma_wait3A_137 = arith.constant 0 : i32
      %dma_wait3A_138 = arith.constant 0 : i32
      %dma_wait3A_139 = arith.constant 0 : i32
      %dma_wait3A_140 = tpu.memref_slice %arg10[%dma_wait3A_137, %dma_wait3A_138, %dma_wait3A_139] : memref<2x8x2048xf32, #tpu.memory_space<vmem>> -> memref<1x8x2048xf32, #tpu.memory_space<vmem>>
      %dma_wait3A_141 = tpu.memref_squeeze %dma_wait3A_140 : memref<1x8x2048xf32, #tpu.memory_space<vmem>> -> memref<8x2048xf32, #tpu.memory_space<vmem>>
      %dma_wait3A_142 = tpu.memref_slice %arg8[%multiple_of3A_127] : memref<256xi32, #tpu.memory_space<vmem>> -> memref<8xi32, #tpu.memory_space<vmem>>
      %dma_wait3A_143 = arith.constant 0 : i32
      %dma_wait3A_144 = arith.constant 0 : i32
      %dma_wait3A_145 = tpu.memref_slice %arg5[%dma_wait3A_143, %dma_wait3A_144] : memref<2050x2048xf32, #tpu.memory_space<hbm>> -> memref<2050x2048xf32, #tpu.memory_space<hbm>>
      tpu.wait_indirect_dma semaphore(%arg14 : memref<!tpu.dma_semaphore, #tpu.memory_space<semaphore_mem>>) src(%dma_wait3A_145 : memref<2050x2048xf32, #tpu.memory_space<hbm>>) dst(%dma_wait3A_141 : memref<8x2048xf32, #tpu.memory_space<vmem>>)
      %not3A = arith.constant true
      %not3A_146 = arith.xori %eq3A_122, %not3A : i1
      %convert_element_type3A = arith.extui %not3A_146 : i1 to i32
      %cond3A = arith.constant 0 : i32
      %cond3A_147 = arith.cmpi ne, %convert_element_type3A, %cond3A : i32
      scf.if %cond3A_147 {
        %sub3A_229 = arith.constant 2 : i32
        %sub3A_230 = arith.subi %multiple_of3A_120, %sub3A_229 : i32
        %mul3A_231 = arith.constant 8 : i32
        %mul3A_232 = arith.muli %sub3A_230, %mul3A_231 : i32
        %multiple_of3A_233 = tpu.assume_multiple %mul3A_232, 8 : i32
        %add3A_234 = arith.addi %mul3A_38, %multiple_of3A_233 : i32
        %dma_wait3A_235 = arith.constant 0 : i32
        %dma_wait3A_236 = arith.constant 0 : i32
        %dma_wait3A_237 = arith.constant 0 : i32
        %dma_wait3A_238 = tpu.memref_slice %arg11[%dma_wait3A_235, %dma_wait3A_236, %dma_wait3A_237] : memref<2x8x2048xf32, #tpu.memory_space<vmem>> -> memref<1x8x2048xf32, #tpu.memory_space<vmem>>
        %dma_wait3A_239 = tpu.memref_squeeze %dma_wait3A_238 : memref<1x8x2048xf32, #tpu.memory_space<vmem>> -> memref<8x2048xf32, #tpu.memory_space<vmem>>
        %dma_wait3A_240 = arith.constant 0 : i32
        %dma_wait3A_241 = tpu.memref_slice %arg6[%add3A_234, %dma_wait3A_240] : memref<8192x2048xf32, #tpu.memory_space<hbm>> -> memref<8x2048xf32, #tpu.memory_space<hbm>>
        %dma_wait3A_242 = arith.constant 0 : i32
        %dma_wait3A_243 = tpu.memref_slice %arg6[%add3A_234, %dma_wait3A_242] : memref<8192x2048xf32, #tpu.memory_space<hbm>> -> memref<8x2048xf32, #tpu.memory_space<hbm>>
        %dma_wait3A_244 = arith.constant 0 : i32
        %dma_wait3A_245 = arith.constant 0 : i32
        %dma_wait3A_246 = tpu.memref_slice %arg11[%dma_wait3A_235, %dma_wait3A_244, %dma_wait3A_245] : memref<2x8x2048xf32, #tpu.memory_space<vmem>> -> memref<1x8x2048xf32, #tpu.memory_space<vmem>>
        %dma_wait3A_247 = tpu.memref_squeeze %dma_wait3A_246 : memref<1x8x2048xf32, #tpu.memory_space<vmem>> -> memref<8x2048xf32, #tpu.memory_space<vmem>>
        tpu.wait_dma2 semaphore(%arg16 : memref<!tpu.dma_semaphore, #tpu.memory_space<semaphore_mem>>) src(%dma_wait3A_247 : memref<8x2048xf32, #tpu.memory_space<vmem>>) dst(%dma_wait3A_243 : memref<8x2048xf32, #tpu.memory_space<hbm>>)
      } else {
      }
      %parallel_loop3A = arith.constant 0 : i32
      %parallel_loop3A_148 = arith.constant 128 : i32
      %parallel_loop3A_149 = arith.constant 1 : i32
      scf.for %parallel_loop3A_229 = %parallel_loop3A to %parallel_loop3A_148 step %parallel_loop3A_149  : i32 {
        %parallel_loop3A_230 = arith.constant 16 : i32
        %parallel_loop3A_231 = arith.muli %parallel_loop3A_229, %parallel_loop3A_230 : i32
        %parallel_loop3A_232 = tpu.assume_multiple %parallel_loop3A_231, 16 : i32
        %parallel_loop3A_233 = arith.constant 0 : i32
        %parallel_loop3A_234 = arith.constant 0 : i32
        %parallel_loop3A_235 = arith.index_cast %parallel_loop3A_233 : i32 to index
        %parallel_loop3A_236 = arith.index_cast %parallel_loop3A_234 : i32 to index
        %parallel_loop3A_237 = arith.index_cast %parallel_loop3A_232 : i32 to index
        %parallel_loop3A_238 = tpu.vector_load %arg9[%parallel_loop3A_235, %parallel_loop3A_236, %parallel_loop3A_237] {strides = array<i32>} : memref<2x8x2048xf32, #tpu.memory_space<vmem>>, vector<1x1x16xf32>,
        %parallel_loop3A_239 = vector.shape_cast %parallel_loop3A_238 : vector<1x1x16xf32> to vector<16xf32>
        %parallel_loop3A_240 = arith.constant 0 : i32
        %parallel_loop3A_241 = arith.constant 0 : i32
        %parallel_loop3A_242 = arith.index_cast %parallel_loop3A_240 : i32 to index
        %parallel_loop3A_243 = arith.index_cast %parallel_loop3A_241 : i32 to index
        %parallel_loop3A_244 = arith.index_cast %parallel_loop3A_232 : i32 to index
        %parallel_loop3A_245 = tpu.vector_load %arg10[%parallel_loop3A_242, %parallel_loop3A_243, %parallel_loop3A_244] {strides = array<i32>} : memref<2x8x2048xf32, #tpu.memory_space<vmem>>, vector<1x1x16xf32>,
        %parallel_loop3A_246 = vector.shape_cast %parallel_loop3A_245 : vector<1x1x16xf32> to vector<16xf32>
        %parallel_loop3A_247 = arith.addf %parallel_loop3A_239, %parallel_loop3A_246 : vector<16xf32>
        %parallel_loop3A_248 = arith.constant 0 : i32
        %parallel_loop3A_249 = arith.constant 0 : i32
        %parallel_loop3A_250 = arith.index_cast %parallel_loop3A_248 : i32 to index
        %parallel_loop3A_251 = arith.index_cast %parallel_loop3A_249 : i32 to index
        %parallel_loop3A_252 = arith.index_cast %parallel_loop3A_232 : i32 to index
        %parallel_loop3A_253 = tpu.vector_load %arg11[%parallel_loop3A_250, %parallel_loop3A_251, %parallel_loop3A_252] {strides = array<i32>} : memref<2x8x2048xf32, #tpu.memory_space<vmem>>, vector<1x1x16xf32>,
        %parallel_loop3A_254 = vector.shape_cast %parallel_loop3A_253 : vector<1x1x16xf32> to vector<16xf32>
        %parallel_loop3A_255 = vector.shape_cast %parallel_loop3A_247 : vector<16xf32> to vector<1x1x16xf32>
        tpu.vector_store %arg11[%parallel_loop3A_250, %parallel_loop3A_251, %parallel_loop3A_252], %parallel_loop3A_255 {strides = array<i32>} : memref<2x8x2048xf32, #tpu.memory_space<vmem>>, vector<1x1x16xf32>,
        %parallel_loop3A_256 = arith.constant 0 : i32
        %parallel_loop3A_257 = arith.constant 1 : i32
        %parallel_loop3A_258 = arith.index_cast %parallel_loop3A_256 : i32 to index
        %parallel_loop3A_259 = arith.index_cast %parallel_loop3A_257 : i32 to index
        %parallel_loop3A_260 = arith.index_cast %parallel_loop3A_232 : i32 to index
        %parallel_loop3A_261 = tpu.vector_load %arg9[%parallel_loop3A_258, %parallel_loop3A_259, %parallel_loop3A_260] {strides = array<i32>} : memref<2x8x2048xf32, #tpu.memory_space<vmem>>, vector<1x1x16xf32>,
        %parallel_loop3A_262 = vector.shape_cast %parallel_loop3A_261 : vector<1x1x16xf32> to vector<16xf32>
        %parallel_loop3A_263 = arith.constant 0 : i32
        %parallel_loop3A_264 = arith.constant 1 : i32
        %parallel_loop3A_265 = arith.index_cast %parallel_loop3A_263 : i32 to index
        %parallel_loop3A_266 = arith.index_cast %parallel_loop3A_264 : i32 to index
        %parallel_loop3A_267 = arith.index_cast %parallel_loop3A_232 : i32 to index
        %parallel_loop3A_268 = tpu.vector_load %arg10[%parallel_loop3A_265, %parallel_loop3A_266, %parallel_loop3A_267] {strides = array<i32>} : memref<2x8x2048xf32, #tpu.memory_space<vmem>>, vector<1x1x16xf32>,
        %parallel_loop3A_269 = vector.shape_cast %parallel_loop3A_268 : vector<1x1x16xf32> to vector<16xf32>
        %parallel_loop3A_270 = arith.addf %parallel_loop3A_262, %parallel_loop3A_269 : vector<16xf32>
        %parallel_loop3A_271 = arith.constant 0 : i32
        %parallel_loop3A_272 = arith.constant 1 : i32
        %parallel_loop3A_273 = arith.index_cast %parallel_loop3A_271 : i32 to index
        %parallel_loop3A_274 = arith.index_cast %parallel_loop3A_272 : i32 to index
        %parallel_loop3A_275 = arith.index_cast %parallel_loop3A_232 : i32 to index
        %parallel_loop3A_276 = tpu.vector_load %arg11[%parallel_loop3A_273, %parallel_loop3A_274, %parallel_loop3A_275] {strides = array<i32>} : memref<2x8x2048xf32, #tpu.memory_space<vmem>>, vector<1x1x16xf32>,
        %parallel_loop3A_277 = vector.shape_cast %parallel_loop3A_276 : vector<1x1x16xf32> to vector<16xf32>
        %parallel_loop3A_278 = vector.shape_cast %parallel_loop3A_270 : vector<16xf32> to vector<1x1x16xf32>
        tpu.vector_store %arg11[%parallel_loop3A_273, %parallel_loop3A_274, %parallel_loop3A_275], %parallel_loop3A_278 {strides = array<i32>} : memref<2x8x2048xf32, #tpu.memory_space<vmem>>, vector<1x1x16xf32>,
        %parallel_loop3A_279 = arith.constant 0 : i32
        %parallel_loop3A_280 = arith.constant 2 : i32
        %parallel_loop3A_281 = arith.index_cast %parallel_loop3A_279 : i32 to index
        %parallel_loop3A_282 = arith.index_cast %parallel_loop3A_280 : i32 to index
        %parallel_loop3A_283 = arith.index_cast %parallel_loop3A_232 : i32 to index
        %parallel_loop3A_284 = tpu.vector_load %arg9[%parallel_loop3A_281, %parallel_loop3A_282, %parallel_loop3A_283] {strides = array<i32>} : memref<2x8x2048xf32, #tpu.memory_space<vmem>>, vector<1x1x16xf32>,
        %parallel_loop3A_285 = vector.shape_cast %parallel_loop3A_284 : vector<1x1x16xf32> to vector<16xf32>
        %parallel_loop3A_286 = arith.constant 0 : i32
        %parallel_loop3A_287 = arith.constant 2 : i32
        %parallel_loop3A_288 = arith.index_cast %parallel_loop3A_286 : i32 to index
        %parallel_loop3A_289 = arith.index_cast %parallel_loop3A_287 : i32 to index
        %parallel_loop3A_290 = arith.index_cast %parallel_loop3A_232 : i32 to index
        %parallel_loop3A_291 = tpu.vector_load %arg10[%parallel_loop3A_288, %parallel_loop3A_289, %parallel_loop3A_290] {strides = array<i32>} : memref<2x8x2048xf32, #tpu.memory_space<vmem>>, vector<1x1x16xf32>,
        %parallel_loop3A_292 = vector.shape_cast %parallel_loop3A_291 : vector<1x1x16xf32> to vector<16xf32>
        %parallel_loop3A_293 = arith.addf %parallel_loop3A_285, %parallel_loop3A_292 : vector<16xf32>
        %parallel_loop3A_294 = arith.constant 0 : i32
        %parallel_loop3A_295 = arith.constant 2 : i32
        %parallel_loop3A_296 = arith.index_cast %parallel_loop3A_294 : i32 to index
        %parallel_loop3A_297 = arith.index_cast %parallel_loop3A_295 : i32 to index
        %parallel_loop3A_298 = arith.index_cast %parallel_loop3A_232 : i32 to index
        %parallel_loop3A_299 = tpu.vector_load %arg11[%parallel_loop3A_296, %parallel_loop3A_297, %parallel_loop3A_298] {strides = array<i32>} : memref<2x8x2048xf32, #tpu.memory_space<vmem>>, vector<1x1x16xf32>,
        %parallel_loop3A_300 = vector.shape_cast %parallel_loop3A_299 : vector<1x1x16xf32> to vector<16xf32>
        %parallel_loop3A_301 = vector.shape_cast %parallel_loop3A_293 : vector<16xf32> to vector<1x1x16xf32>
        tpu.vector_store %arg11[%parallel_loop3A_296, %parallel_loop3A_297, %parallel_loop3A_298], %parallel_loop3A_301 {strides = array<i32>} : memref<2x8x2048xf32, #tpu.memory_space<vmem>>, vector<1x1x16xf32>,
        %parallel_loop3A_302 = arith.constant 0 : i32
        %parallel_loop3A_303 = arith.constant 3 : i32
        %parallel_loop3A_304 = arith.index_cast %parallel_loop3A_302 : i32 to index
        %parallel_loop3A_305 = arith.index_cast %parallel_loop3A_303 : i32 to index
        %parallel_loop3A_306 = arith.index_cast %parallel_loop3A_232 : i32 to index
        %parallel_loop3A_307 = tpu.vector_load %arg9[%parallel_loop3A_304, %parallel_loop3A_305, %parallel_loop3A_306] {strides = array<i32>} : memref<2x8x2048xf32, #tpu.memory_space<vmem>>, vector<1x1x16xf32>,
        %parallel_loop3A_308 = vector.shape_cast %parallel_loop3A_307 : vector<1x1x16xf32> to vector<16xf32>
        %parallel_loop3A_309 = arith.constant 0 : i32
        %parallel_loop3A_310 = arith.constant 3 : i32
        %parallel_loop3A_311 = arith.index_cast %parallel_loop3A_309 : i32 to index
        %parallel_loop3A_312 = arith.index_cast %parallel_loop3A_310 : i32 to index
        %parallel_loop3A_313 = arith.index_cast %parallel_loop3A_232 : i32 to index
        %parallel_loop3A_314 = tpu.vector_load %arg10[%parallel_loop3A_311, %parallel_loop3A_312, %parallel_loop3A_313] {strides = array<i32>} : memref<2x8x2048xf32, #tpu.memory_space<vmem>>, vector<1x1x16xf32>,
        %parallel_loop3A_315 = vector.shape_cast %parallel_loop3A_314 : vector<1x1x16xf32> to vector<16xf32>
        %parallel_loop3A_316 = arith.addf %parallel_loop3A_308, %parallel_loop3A_315 : vector<16xf32>
        %parallel_loop3A_317 = arith.constant 0 : i32
        %parallel_loop3A_318 = arith.constant 3 : i32
        %parallel_loop3A_319 = arith.index_cast %parallel_loop3A_317 : i32 to index
        %parallel_loop3A_320 = arith.index_cast %parallel_loop3A_318 : i32 to index
        %parallel_loop3A_321 = arith.index_cast %parallel_loop3A_232 : i32 to index
        %parallel_loop3A_322 = tpu.vector_load %arg11[%parallel_loop3A_319, %parallel_loop3A_320, %parallel_loop3A_321] {strides = array<i32>} : memref<2x8x2048xf32, #tpu.memory_space<vmem>>, vector<1x1x16xf32>,
        %parallel_loop3A_323 = vector.shape_cast %parallel_loop3A_322 : vector<1x1x16xf32> to vector<16xf32>
        %parallel_loop3A_324 = vector.shape_cast %parallel_loop3A_316 : vector<16xf32> to vector<1x1x16xf32>
        tpu.vector_store %arg11[%parallel_loop3A_319, %parallel_loop3A_320, %parallel_loop3A_321], %parallel_loop3A_324 {strides = array<i32>} : memref<2x8x2048xf32, #tpu.memory_space<vmem>>, vector<1x1x16xf32>,
        %parallel_loop3A_325 = arith.constant 0 : i32
        %parallel_loop3A_326 = arith.constant 4 : i32
        %parallel_loop3A_327 = arith.index_cast %parallel_loop3A_325 : i32 to index
        %parallel_loop3A_328 = arith.index_cast %parallel_loop3A_326 : i32 to index
        %parallel_loop3A_329 = arith.index_cast %parallel_loop3A_232 : i32 to index
        %parallel_loop3A_330 = tpu.vector_load %arg9[%parallel_loop3A_327, %parallel_loop3A_328, %parallel_loop3A_329] {strides = array<i32>} : memref<2x8x2048xf32, #tpu.memory_space<vmem>>, vector<1x1x16xf32>,
        %parallel_loop3A_331 = vector.shape_cast %parallel_loop3A_330 : vector<1x1x16xf32> to vector<16xf32>
        %parallel_loop3A_332 = arith.constant 0 : i32
        %parallel_loop3A_333 = arith.constant 4 : i32
        %parallel_loop3A_334 = arith.index_cast %parallel_loop3A_332 : i32 to index
        %parallel_loop3A_335 = arith.index_cast %parallel_loop3A_333 : i32 to index
        %parallel_loop3A_336 = arith.index_cast %parallel_loop3A_232 : i32 to index
        %parallel_loop3A_337 = tpu.vector_load %arg10[%parallel_loop3A_334, %parallel_loop3A_335, %parallel_loop3A_336] {strides = array<i32>} : memref<2x8x2048xf32, #tpu.memory_space<vmem>>, vector<1x1x16xf32>,
        %parallel_loop3A_338 = vector.shape_cast %parallel_loop3A_337 : vector<1x1x16xf32> to vector<16xf32>
        %parallel_loop3A_339 = arith.addf %parallel_loop3A_331, %parallel_loop3A_338 : vector<16xf32>
        %parallel_loop3A_340 = arith.constant 0 : i32
        %parallel_loop3A_341 = arith.constant 4 : i32
        %parallel_loop3A_342 = arith.index_cast %parallel_loop3A_340 : i32 to index
        %parallel_loop3A_343 = arith.index_cast %parallel_loop3A_341 : i32 to index
        %parallel_loop3A_344 = arith.index_cast %parallel_loop3A_232 : i32 to index
        %parallel_loop3A_345 = tpu.vector_load %arg11[%parallel_loop3A_342, %parallel_loop3A_343, %parallel_loop3A_344] {strides = array<i32>} : memref<2x8x2048xf32, #tpu.memory_space<vmem>>, vector<1x1x16xf32>,
        %parallel_loop3A_346 = vector.shape_cast %parallel_loop3A_345 : vector<1x1x16xf32> to vector<16xf32>
        %parallel_loop3A_347 = vector.shape_cast %parallel_loop3A_339 : vector<16xf32> to vector<1x1x16xf32>
        tpu.vector_store %arg11[%parallel_loop3A_342, %parallel_loop3A_343, %parallel_loop3A_344], %parallel_loop3A_347 {strides = array<i32>} : memref<2x8x2048xf32, #tpu.memory_space<vmem>>, vector<1x1x16xf32>,
        %parallel_loop3A_348 = arith.constant 0 : i32
        %parallel_loop3A_349 = arith.constant 5 : i32
        %parallel_loop3A_350 = arith.index_cast %parallel_loop3A_348 : i32 to index
        %parallel_loop3A_351 = arith.index_cast %parallel_loop3A_349 : i32 to index
        %parallel_loop3A_352 = arith.index_cast %parallel_loop3A_232 : i32 to index
        %parallel_loop3A_353 = tpu.vector_load %arg9[%parallel_loop3A_350, %parallel_loop3A_351, %parallel_loop3A_352] {strides = array<i32>} : memref<2x8x2048xf32, #tpu.memory_space<vmem>>, vector<1x1x16xf32>,
        %parallel_loop3A_354 = vector.shape_cast %parallel_loop3A_353 : vector<1x1x16xf32> to vector<16xf32>
        %parallel_loop3A_355 = arith.constant 0 : i32
        %parallel_loop3A_356 = arith.constant 5 : i32
        %parallel_loop3A_357 = arith.index_cast %parallel_loop3A_355 : i32 to index
        %parallel_loop3A_358 = arith.index_cast %parallel_loop3A_356 : i32 to index
        %parallel_loop3A_359 = arith.index_cast %parallel_loop3A_232 : i32 to index
        %parallel_loop3A_360 = tpu.vector_load %arg10[%parallel_loop3A_357, %parallel_loop3A_358, %parallel_loop3A_359] {strides = array<i32>} : memref<2x8x2048xf32, #tpu.memory_space<vmem>>, vector<1x1x16xf32>,
        %parallel_loop3A_361 = vector.shape_cast %parallel_loop3A_360 : vector<1x1x16xf32> to vector<16xf32>
        %parallel_loop3A_362 = arith.addf %parallel_loop3A_354, %parallel_loop3A_361 : vector<16xf32>
        %parallel_loop3A_363 = arith.constant 0 : i32
        %parallel_loop3A_364 = arith.constant 5 : i32
        %parallel_loop3A_365 = arith.index_cast %parallel_loop3A_363 : i32 to index
        %parallel_loop3A_366 = arith.index_cast %parallel_loop3A_364 : i32 to index
        %parallel_loop3A_367 = arith.index_cast %parallel_loop3A_232 : i32 to index
        %parallel_loop3A_368 = tpu.vector_load %arg11[%parallel_loop3A_365, %parallel_loop3A_366, %parallel_loop3A_367] {strides = array<i32>} : memref<2x8x2048xf32, #tpu.memory_space<vmem>>, vector<1x1x16xf32>,
        %parallel_loop3A_369 = vector.shape_cast %parallel_loop3A_368 : vector<1x1x16xf32> to vector<16xf32>
        %parallel_loop3A_370 = vector.shape_cast %parallel_loop3A_362 : vector<16xf32> to vector<1x1x16xf32>
        tpu.vector_store %arg11[%parallel_loop3A_365, %parallel_loop3A_366, %parallel_loop3A_367], %parallel_loop3A_370 {strides = array<i32>} : memref<2x8x2048xf32, #tpu.memory_space<vmem>>, vector<1x1x16xf32>,
        %parallel_loop3A_371 = arith.constant 0 : i32
        %parallel_loop3A_372 = arith.constant 6 : i32
        %parallel_loop3A_373 = arith.index_cast %parallel_loop3A_371 : i32 to index
        %parallel_loop3A_374 = arith.index_cast %parallel_loop3A_372 : i32 to index
        %parallel_loop3A_375 = arith.index_cast %parallel_loop3A_232 : i32 to index
        %parallel_loop3A_376 = tpu.vector_load %arg9[%parallel_loop3A_373, %parallel_loop3A_374, %parallel_loop3A_375] {strides = array<i32>} : memref<2x8x2048xf32, #tpu.memory_space<vmem>>, vector<1x1x16xf32>,
        %parallel_loop3A_377 = vector.shape_cast %parallel_loop3A_376 : vector<1x1x16xf32> to vector<16xf32>
        %parallel_loop3A_378 = arith.constant 0 : i32
        %parallel_loop3A_379 = arith.constant 6 : i32
        %parallel_loop3A_380 = arith.index_cast %parallel_loop3A_378 : i32 to index
        %parallel_loop3A_381 = arith.index_cast %parallel_loop3A_379 : i32 to index
        %parallel_loop3A_382 = arith.index_cast %parallel_loop3A_232 : i32 to index
        %parallel_loop3A_383 = tpu.vector_load %arg10[%parallel_loop3A_380, %parallel_loop3A_381, %parallel_loop3A_382] {strides = array<i32>} : memref<2x8x2048xf32, #tpu.memory_space<vmem>>, vector<1x1x16xf32>,
        %parallel_loop3A_384 = vector.shape_cast %parallel_loop3A_383 : vector<1x1x16xf32> to vector<16xf32>
        %parallel_loop3A_385 = arith.addf %parallel_loop3A_377, %parallel_loop3A_384 : vector<16xf32>
        %parallel_loop3A_386 = arith.constant 0 : i32
        %parallel_loop3A_387 = arith.constant 6 : i32
        %parallel_loop3A_388 = arith.index_cast %parallel_loop3A_386 : i32 to index
        %parallel_loop3A_389 = arith.index_cast %parallel_loop3A_387 : i32 to index
        %parallel_loop3A_390 = arith.index_cast %parallel_loop3A_232 : i32 to index
        %parallel_loop3A_391 = tpu.vector_load %arg11[%parallel_loop3A_388, %parallel_loop3A_389, %parallel_loop3A_390] {strides = array<i32>} : memref<2x8x2048xf32, #tpu.memory_space<vmem>>, vector<1x1x16xf32>,
        %parallel_loop3A_392 = vector.shape_cast %parallel_loop3A_391 : vector<1x1x16xf32> to vector<16xf32>
        %parallel_loop3A_393 = vector.shape_cast %parallel_loop3A_385 : vector<16xf32> to vector<1x1x16xf32>
        tpu.vector_store %arg11[%parallel_loop3A_388, %parallel_loop3A_389, %parallel_loop3A_390], %parallel_loop3A_393 {strides = array<i32>} : memref<2x8x2048xf32, #tpu.memory_space<vmem>>, vector<1x1x16xf32>,
        %parallel_loop3A_394 = arith.constant 0 : i32
        %parallel_loop3A_395 = arith.constant 7 : i32
        %parallel_loop3A_396 = arith.index_cast %parallel_loop3A_394 : i32 to index
        %parallel_loop3A_397 = arith.index_cast %parallel_loop3A_395 : i32 to index
        %parallel_loop3A_398 = arith.index_cast %parallel_loop3A_232 : i32 to index
        %parallel_loop3A_399 = tpu.vector_load %arg9[%parallel_loop3A_396, %parallel_loop3A_397, %parallel_loop3A_398] {strides = array<i32>} : memref<2x8x2048xf32, #tpu.memory_space<vmem>>, vector<1x1x16xf32>,
        %parallel_loop3A_400 = vector.shape_cast %parallel_loop3A_399 : vector<1x1x16xf32> to vector<16xf32>
        %parallel_loop3A_401 = arith.constant 0 : i32
        %parallel_loop3A_402 = arith.constant 7 : i32
        %parallel_loop3A_403 = arith.index_cast %parallel_loop3A_401 : i32 to index
        %parallel_loop3A_404 = arith.index_cast %parallel_loop3A_402 : i32 to index
        %parallel_loop3A_405 = arith.index_cast %parallel_loop3A_232 : i32 to index
        %parallel_loop3A_406 = tpu.vector_load %arg10[%parallel_loop3A_403, %parallel_loop3A_404, %parallel_loop3A_405] {strides = array<i32>} : memref<2x8x2048xf32, #tpu.memory_space<vmem>>, vector<1x1x16xf32>,
        %parallel_loop3A_407 = vector.shape_cast %parallel_loop3A_406 : vector<1x1x16xf32> to vector<16xf32>
        %parallel_loop3A_408 = arith.addf %parallel_loop3A_400, %parallel_loop3A_407 : vector<16xf32>
        %parallel_loop3A_409 = arith.constant 0 : i32
        %parallel_loop3A_410 = arith.constant 7 : i32
        %parallel_loop3A_411 = arith.index_cast %parallel_loop3A_409 : i32 to index
        %parallel_loop3A_412 = arith.index_cast %parallel_loop3A_410 : i32 to index
        %parallel_loop3A_413 = arith.index_cast %parallel_loop3A_232 : i32 to index
        %parallel_loop3A_414 = tpu.vector_load %arg11[%parallel_loop3A_411, %parallel_loop3A_412, %parallel_loop3A_413] {strides = array<i32>} : memref<2x8x2048xf32, #tpu.memory_space<vmem>>, vector<1x1x16xf32>,
        %parallel_loop3A_415 = vector.shape_cast %parallel_loop3A_414 : vector<1x1x16xf32> to vector<16xf32>
        %parallel_loop3A_416 = vector.shape_cast %parallel_loop3A_408 : vector<16xf32> to vector<1x1x16xf32>
        tpu.vector_store %arg11[%parallel_loop3A_411, %parallel_loop3A_412, %parallel_loop3A_413], %parallel_loop3A_416 {strides = array<i32>} : memref<2x8x2048xf32, #tpu.memory_space<vmem>>, vector<1x1x16xf32>,
      } {sc.loop_unroll_factor = 4 : i64, sc.parallel_access}
      %mul3A_150 = arith.constant 8 : i32
      %mul3A_151 = arith.muli %multiple_of3A_120, %mul3A_150 : i32
      %multiple_of3A_152 = tpu.assume_multiple %mul3A_151, 8 : i32
      %add3A_153 = arith.addi %mul3A_38, %multiple_of3A_152 : i32
      %dma_start3A_154 = arith.constant 0 : i32
      %dma_start3A_155 = arith.constant 0 : i32
      %dma_start3A_156 = arith.constant 0 : i32
      %dma_start3A_157 = tpu.memref_slice %arg11[%dma_start3A_154, %dma_start3A_155, %dma_start3A_156] : memref<2x8x2048xf32, #tpu.memory_space<vmem>> -> memref<1x8x2048xf32, #tpu.memory_space<vmem>>
      %dma_start3A_158 = tpu.memref_squeeze %dma_start3A_157 : memref<1x8x2048xf32, #tpu.memory_space<vmem>> -> memref<8x2048xf32, #tpu.memory_space<vmem>>
      %dma_start3A_159 = arith.constant 0 : i32
      %dma_start3A_160 = tpu.memref_slice %arg6[%add3A_153, %dma_start3A_159] : memref<8192x2048xf32, #tpu.memory_space<hbm>> -> memref<8x2048xf32, #tpu.memory_space<hbm>>
      %dma_start3A_161 = arith.constant 0 : i32
      %dma_start3A_162 = tpu.memref_slice %arg6[%add3A_153, %dma_start3A_161] : memref<8192x2048xf32, #tpu.memory_space<hbm>> -> memref<8x2048xf32, #tpu.memory_space<hbm>>
      %dma_start3A_163 = arith.constant 0 : i32
      %dma_start3A_164 = arith.constant 0 : i32
      %dma_start3A_165 = tpu.memref_slice %arg11[%dma_start3A_154, %dma_start3A_163, %dma_start3A_164] : memref<2x8x2048xf32, #tpu.memory_space<vmem>> -> memref<1x8x2048xf32, #tpu.memory_space<vmem>>
      %dma_start3A_166 = tpu.memref_squeeze %dma_start3A_165 : memref<1x8x2048xf32, #tpu.memory_space<vmem>> -> memref<8x2048xf32, #tpu.memory_space<vmem>>
      tpu.enqueue_dma source(%dma_start3A_166 : memref<8x2048xf32, #tpu.memory_space<vmem>>) target(%dma_start3A_162 : memref<8x2048xf32, #tpu.memory_space<hbm>>) target_semaphore(%arg16 : memref<!tpu.dma_semaphore, #tpu.memory_space<semaphore_mem>>)
      %not3A_167 = arith.constant true
      %not3A_168 = arith.xori %eq3A_124, %not3A_167 : i1
      %convert_element_type3A_169 = arith.extui %not3A_168 : i1 to i32
      %cond3A_170 = arith.constant 0 : i32
      %cond3A_171 = arith.cmpi ne, %convert_element_type3A_169, %cond3A_170 : i32
      scf.if %cond3A_171 {
        %add3A_229 = arith.constant 2 : i32
        %add3A_230 = arith.addi %multiple_of3A_120, %add3A_229 : i32
        %mul3A_231 = arith.constant 8 : i32
        %mul3A_232 = arith.muli %add3A_230, %mul3A_231 : i32
        %multiple_of3A_233 = tpu.assume_multiple %mul3A_232, 8 : i32
        %dma_start3A_234 = arith.constant 0 : i32
        %dma_start3A_235 = arith.constant 0 : i32
        %dma_start3A_236 = arith.constant 0 : i32
        %dma_start3A_237 = tpu.memref_slice %arg9[%dma_start3A_234, %dma_start3A_235, %dma_start3A_236] : memref<2x8x2048xf32, #tpu.memory_space<vmem>> -> memref<1x8x2048xf32, #tpu.memory_space<vmem>>
        %dma_start3A_238 = tpu.memref_squeeze %dma_start3A_237 : memref<1x8x2048xf32, #tpu.memory_space<vmem>> -> memref<8x2048xf32, #tpu.memory_space<vmem>>
        %dma_start3A_239 = tpu.memref_slice %arg7[%multiple_of3A_233] : memref<256xi32, #tpu.memory_space<vmem>> -> memref<8xi32, #tpu.memory_space<vmem>>
        %dma_start3A_240 = arith.constant 0 : i32
        %dma_start3A_241 = arith.constant 0 : i32
        %dma_start3A_242 = tpu.memref_slice %arg4[%dma_start3A_240, %dma_start3A_241] : memref<50272x2048xf32, #tpu.memory_space<hbm>> -> memref<50272x2048xf32, #tpu.memory_space<hbm>>
        tpu.enqueue_indirect_dma source(%dma_start3A_242 : memref<50272x2048xf32, #tpu.memory_space<hbm>>) target(%dma_start3A_238 : memref<8x2048xf32, #tpu.memory_space<vmem>>) offsets(%dma_start3A_239 : memref<8xi32, #tpu.memory_space<vmem>>) semaphore(%arg12 : memref<!tpu.dma_semaphore, #tpu.memory_space<semaphore_mem>>)
        %dma_start3A_243 = arith.constant 0 : i32
        %dma_start3A_244 = arith.constant 0 : i32
        %dma_start3A_245 = arith.constant 0 : i32
        %dma_start3A_246 = tpu.memref_slice %arg10[%dma_start3A_243, %dma_start3A_244, %dma_start3A_245] : memref<2x8x2048xf32, #tpu.memory_space<vmem>> -> memref<1x8x2048xf32, #tpu.memory_space<vmem>>
        %dma_start3A_247 = tpu.memref_squeeze %dma_start3A_246 : memref<1x8x2048xf32, #tpu.memory_space<vmem>> -> memref<8x2048xf32, #tpu.memory_space<vmem>>
        %dma_start3A_248 = tpu.memref_slice %arg8[%multiple_of3A_233] : memref<256xi32, #tpu.memory_space<vmem>> -> memref<8xi32, #tpu.memory_space<vmem>>
        %dma_start3A_249 = arith.constant 0 : i32
        %dma_start3A_250 = arith.constant 0 : i32
        %dma_start3A_251 = tpu.memref_slice %arg5[%dma_start3A_249, %dma_start3A_250] : memref<2050x2048xf32, #tpu.memory_space<hbm>> -> memref<2050x2048xf32, #tpu.memory_space<hbm>>
        tpu.enqueue_indirect_dma source(%dma_start3A_251 : memref<2050x2048xf32, #tpu.memory_space<hbm>>) target(%dma_start3A_247 : memref<8x2048xf32, #tpu.memory_space<vmem>>) offsets(%dma_start3A_248 : memref<8xi32, #tpu.memory_space<vmem>>) semaphore(%arg14 : memref<!tpu.dma_semaphore, #tpu.memory_space<semaphore_mem>>)
      } else {
      }
      %add3A_172 = arith.constant 1 : i32
      %add3A_173 = arith.addi %multiple_of3A_120, %add3A_172 : i32
      %eq3A_174 = arith.constant 0 : i32
      %eq3A_175 = arith.cmpi eq, %add3A_117, %eq3A_174 : i32
      %eq3A_176 = arith.constant 15 : i32
      %eq3A_177 = arith.cmpi eq, %add3A_117, %eq3A_176 : i32
      %mul3A_178 = arith.constant 8 : i32
      %mul3A_179 = arith.muli %add3A_173, %mul3A_178 : i32
      %multiple_of3A_180 = tpu.assume_multiple %mul3A_179, 8 : i32
      %dma_wait3A_181 = arith.constant 1 : i32
      %dma_wait3A_182 = arith.constant 0 : i32
      %dma_wait3A_183 = arith.constant 0 : i32
      %dma_wait3A_184 = tpu.memref_slice %arg9[%dma_wait3A_181, %dma_wait3A_182, %dma_wait3A_183] : memref<2x8x2048xf32, #tpu.memory_space<vmem>> -> memref<1x8x2048xf32, #tpu.memory_space<vmem>>
      %dma_wait3A_185 = tpu.memref_squeeze %dma_wait3A_184 : memref<1x8x2048xf32, #tpu.memory_space<vmem>> -> memref<8x2048xf32, #tpu.memory_space<vmem>>
      %dma_wait3A_186 = tpu.memref_slice %arg7[%multiple_of3A_180] : memref<256xi32, #tpu.memory_space<vmem>> -> memref<8xi32, #tpu.memory_space<vmem>>
      %dma_wait3A_187 = arith.constant 0 : i32
      %dma_wait3A_188 = arith.constant 0 : i32
      %dma_wait3A_189 = tpu.memref_slice %arg4[%dma_wait3A_187, %dma_wait3A_188] : memref<50272x2048xf32, #tpu.memory_space<hbm>> -> memref<50272x2048xf32, #tpu.memory_space<hbm>>
      tpu.wait_indirect_dma semaphore(%arg13 : memref<!tpu.dma_semaphore, #tpu.memory_space<semaphore_mem>>) src(%dma_wait3A_189 : memref<50272x2048xf32, #tpu.memory_space<hbm>>) dst(%dma_wait3A_185 : memref<8x2048xf32, #tpu.memory_space<vmem>>)
      %dma_wait3A_190 = arith.constant 1 : i32
      %dma_wait3A_191 = arith.constant 0 : i32
      %dma_wait3A_192 = arith.constant 0 : i32
      %dma_wait3A_193 = tpu.memref_slice %arg10[%dma_wait3A_190, %dma_wait3A_191, %dma_wait3A_192] : memref<2x8x2048xf32, #tpu.memory_space<vmem>> -> memref<1x8x2048xf32, #tpu.memory_space<vmem>>
      %dma_wait3A_194 = tpu.memref_squeeze %dma_wait3A_193 : memref<1x8x2048xf32, #tpu.memory_space<vmem>> -> memref<8x2048xf32, #tpu.memory_space<vmem>>
      %dma_wait3A_195 = tpu.memref_slice %arg8[%multiple_of3A_180] : memref<256xi32, #tpu.memory_space<vmem>> -> memref<8xi32, #tpu.memory_space<vmem>>
      %dma_wait3A_196 = arith.constant 0 : i32
      %dma_wait3A_197 = arith.constant 0 : i32
      %dma_wait3A_198 = tpu.memref_slice %arg5[%dma_wait3A_196, %dma_wait3A_197] : memref<2050x2048xf32, #tpu.memory_space<hbm>> -> memref<2050x2048xf32, #tpu.memory_space<hbm>>
      tpu.wait_indirect_dma semaphore(%arg15 : memref<!tpu.dma_semaphore, #tpu.memory_space<semaphore_mem>>) src(%dma_wait3A_198 : memref<2050x2048xf32, #tpu.memory_space<hbm>>) dst(%dma_wait3A_194 : memref<8x2048xf32, #tpu.memory_space<vmem>>)
      %not3A_199 = arith.constant true
      %not3A_200 = arith.xori %eq3A_175, %not3A_199 : i1
      %convert_element_type3A_201 = arith.extui %not3A_200 : i1 to i32
      %cond3A_202 = arith.constant 0 : i32
      %cond3A_203 = arith.cmpi ne, %convert_element_type3A_201, %cond3A_202 : i32
      scf.if %cond3A_203 {
        %sub3A_229 = arith.constant 2 : i32
        %sub3A_230 = arith.subi %add3A_173, %sub3A_229 : i32
        %mul3A_231 = arith.constant 8 : i32
        %mul3A_232 = arith.muli %sub3A_230, %mul3A_231 : i32
        %multiple_of3A_233 = tpu.assume_multiple %mul3A_232, 8 : i32
        %add3A_234 = arith.addi %mul3A_38, %multiple_of3A_233 : i32
        %dma_wait3A_235 = arith.constant 1 : i32
        %dma_wait3A_236 = arith.constant 0 : i32
        %dma_wait3A_237 = arith.constant 0 : i32
        %dma_wait3A_238 = tpu.memref_slice %arg11[%dma_wait3A_235, %dma_wait3A_236, %dma_wait3A_237] : memref<2x8x2048xf32, #tpu.memory_space<vmem>> -> memref<1x8x2048xf32, #tpu.memory_space<vmem>>
        %dma_wait3A_239 = tpu.memref_squeeze %dma_wait3A_238 : memref<1x8x2048xf32, #tpu.memory_space<vmem>> -> memref<8x2048xf32, #tpu.memory_space<vmem>>
        %dma_wait3A_240 = arith.constant 0 : i32
        %dma_wait3A_241 = tpu.memref_slice %arg6[%add3A_234, %dma_wait3A_240] : memref<8192x2048xf32, #tpu.memory_space<hbm>> -> memref<8x2048xf32, #tpu.memory_space<hbm>>
        %dma_wait3A_242 = arith.constant 0 : i32
        %dma_wait3A_243 = tpu.memref_slice %arg6[%add3A_234, %dma_wait3A_242] : memref<8192x2048xf32, #tpu.memory_space<hbm>> -> memref<8x2048xf32, #tpu.memory_space<hbm>>
        %dma_wait3A_244 = arith.constant 0 : i32
        %dma_wait3A_245 = arith.constant 0 : i32
        %dma_wait3A_246 = tpu.memref_slice %arg11[%dma_wait3A_235, %dma_wait3A_244, %dma_wait3A_245] : memref<2x8x2048xf32, #tpu.memory_space<vmem>> -> memref<1x8x2048xf32, #tpu.memory_space<vmem>>
        %dma_wait3A_247 = tpu.memref_squeeze %dma_wait3A_246 : memref<1x8x2048xf32, #tpu.memory_space<vmem>> -> memref<8x2048xf32, #tpu.memory_space<vmem>>
        tpu.wait_dma2 semaphore(%arg17 : memref<!tpu.dma_semaphore, #tpu.memory_space<semaphore_mem>>) src(%dma_wait3A_247 : memref<8x2048xf32, #tpu.memory_space<vmem>>) dst(%dma_wait3A_243 : memref<8x2048xf32, #tpu.memory_space<hbm>>)
      } else {
      }
      %parallel_loop3A_204 = arith.constant 0 : i32
      %parallel_loop3A_205 = arith.constant 128 : i32
      %parallel_loop3A_206 = arith.constant 1 : i32
      scf.for %parallel_loop3A_229 = %parallel_loop3A_204 to %parallel_loop3A_205 step %parallel_loop3A_206  : i32 {
        %parallel_loop3A_230 = arith.constant 16 : i32
        %parallel_loop3A_231 = arith.muli %parallel_loop3A_229, %parallel_loop3A_230 : i32
        %parallel_loop3A_232 = tpu.assume_multiple %parallel_loop3A_231, 16 : i32
        %parallel_loop3A_233 = arith.constant 1 : i32
        %parallel_loop3A_234 = arith.constant 0 : i32
        %parallel_loop3A_235 = arith.index_cast %parallel_loop3A_233 : i32 to index
        %parallel_loop3A_236 = arith.index_cast %parallel_loop3A_234 : i32 to index
        %parallel_loop3A_237 = arith.index_cast %parallel_loop3A_232 : i32 to index
        %parallel_loop3A_238 = tpu.vector_load %arg9[%parallel_loop3A_235, %parallel_loop3A_236, %parallel_loop3A_237] {strides = array<i32>} : memref<2x8x2048xf32, #tpu.memory_space<vmem>>, vector<1x1x16xf32>,
        %parallel_loop3A_239 = vector.shape_cast %parallel_loop3A_238 : vector<1x1x16xf32> to vector<16xf32>
        %parallel_loop3A_240 = arith.constant 1 : i32
        %parallel_loop3A_241 = arith.constant 0 : i32
        %parallel_loop3A_242 = arith.index_cast %parallel_loop3A_240 : i32 to index
        %parallel_loop3A_243 = arith.index_cast %parallel_loop3A_241 : i32 to index
        %parallel_loop3A_244 = arith.index_cast %parallel_loop3A_232 : i32 to index
        %parallel_loop3A_245 = tpu.vector_load %arg10[%parallel_loop3A_242, %parallel_loop3A_243, %parallel_loop3A_244] {strides = array<i32>} : memref<2x8x2048xf32, #tpu.memory_space<vmem>>, vector<1x1x16xf32>,
        %parallel_loop3A_246 = vector.shape_cast %parallel_loop3A_245 : vector<1x1x16xf32> to vector<16xf32>
        %parallel_loop3A_247 = arith.addf %parallel_loop3A_239, %parallel_loop3A_246 : vector<16xf32>
        %parallel_loop3A_248 = arith.constant 1 : i32
        %parallel_loop3A_249 = arith.constant 0 : i32
        %parallel_loop3A_250 = arith.index_cast %parallel_loop3A_248 : i32 to index
        %parallel_loop3A_251 = arith.index_cast %parallel_loop3A_249 : i32 to index
        %parallel_loop3A_252 = arith.index_cast %parallel_loop3A_232 : i32 to index
        %parallel_loop3A_253 = tpu.vector_load %arg11[%parallel_loop3A_250, %parallel_loop3A_251, %parallel_loop3A_252] {strides = array<i32>} : memref<2x8x2048xf32, #tpu.memory_space<vmem>>, vector<1x1x16xf32>,
        %parallel_loop3A_254 = vector.shape_cast %parallel_loop3A_253 : vector<1x1x16xf32> to vector<16xf32>
        %parallel_loop3A_255 = vector.shape_cast %parallel_loop3A_247 : vector<16xf32> to vector<1x1x16xf32>
        tpu.vector_store %arg11[%parallel_loop3A_250, %parallel_loop3A_251, %parallel_loop3A_252], %parallel_loop3A_255 {strides = array<i32>} : memref<2x8x2048xf32, #tpu.memory_space<vmem>>, vector<1x1x16xf32>,
        %parallel_loop3A_256 = arith.constant 1 : i32
        %parallel_loop3A_257 = arith.constant 1 : i32
        %parallel_loop3A_258 = arith.index_cast %parallel_loop3A_256 : i32 to index
        %parallel_loop3A_259 = arith.index_cast %parallel_loop3A_257 : i32 to index
        %parallel_loop3A_260 = arith.index_cast %parallel_loop3A_232 : i32 to index
        %parallel_loop3A_261 = tpu.vector_load %arg9[%parallel_loop3A_258, %parallel_loop3A_259, %parallel_loop3A_260] {strides = array<i32>} : memref<2x8x2048xf32, #tpu.memory_space<vmem>>, vector<1x1x16xf32>,
        %parallel_loop3A_262 = vector.shape_cast %parallel_loop3A_261 : vector<1x1x16xf32> to vector<16xf32>
        %parallel_loop3A_263 = arith.constant 1 : i32
        %parallel_loop3A_264 = arith.constant 1 : i32
        %parallel_loop3A_265 = arith.index_cast %parallel_loop3A_263 : i32 to index
        %parallel_loop3A_266 = arith.index_cast %parallel_loop3A_264 : i32 to index
        %parallel_loop3A_267 = arith.index_cast %parallel_loop3A_232 : i32 to index
        %parallel_loop3A_268 = tpu.vector_load %arg10[%parallel_loop3A_265, %parallel_loop3A_266, %parallel_loop3A_267] {strides = array<i32>} : memref<2x8x2048xf32, #tpu.memory_space<vmem>>, vector<1x1x16xf32>,
        %parallel_loop3A_269 = vector.shape_cast %parallel_loop3A_268 : vector<1x1x16xf32> to vector<16xf32>
        %parallel_loop3A_270 = arith.addf %parallel_loop3A_262, %parallel_loop3A_269 : vector<16xf32>
        %parallel_loop3A_271 = arith.constant 1 : i32
        %parallel_loop3A_272 = arith.constant 1 : i32
        %parallel_loop3A_273 = arith.index_cast %parallel_loop3A_271 : i32 to index
        %parallel_loop3A_274 = arith.index_cast %parallel_loop3A_272 : i32 to index
        %parallel_loop3A_275 = arith.index_cast %parallel_loop3A_232 : i32 to index
        %parallel_loop3A_276 = tpu.vector_load %arg11[%parallel_loop3A_273, %parallel_loop3A_274, %parallel_loop3A_275] {strides = array<i32>} : memref<2x8x2048xf32, #tpu.memory_space<vmem>>, vector<1x1x16xf32>,
        %parallel_loop3A_277 = vector.shape_cast %parallel_loop3A_276 : vector<1x1x16xf32> to vector<16xf32>
        %parallel_loop3A_278 = vector.shape_cast %parallel_loop3A_270 : vector<16xf32> to vector<1x1x16xf32>
        tpu.vector_store %arg11[%parallel_loop3A_273, %parallel_loop3A_274, %parallel_loop3A_275], %parallel_loop3A_278 {strides = array<i32>} : memref<2x8x2048xf32, #tpu.memory_space<vmem>>, vector<1x1x16xf32>,
        %parallel_loop3A_279 = arith.constant 1 : i32
        %parallel_loop3A_280 = arith.constant 2 : i32
        %parallel_loop3A_281 = arith.index_cast %parallel_loop3A_279 : i32 to index
        %parallel_loop3A_282 = arith.index_cast %parallel_loop3A_280 : i32 to index
        %parallel_loop3A_283 = arith.index_cast %parallel_loop3A_232 : i32 to index
        %parallel_loop3A_284 = tpu.vector_load %arg9[%parallel_loop3A_281, %parallel_loop3A_282, %parallel_loop3A_283] {strides = array<i32>} : memref<2x8x2048xf32, #tpu.memory_space<vmem>>, vector<1x1x16xf32>,
        %parallel_loop3A_285 = vector.shape_cast %parallel_loop3A_284 : vector<1x1x16xf32> to vector<16xf32>
        %parallel_loop3A_286 = arith.constant 1 : i32
        %parallel_loop3A_287 = arith.constant 2 : i32
        %parallel_loop3A_288 = arith.index_cast %parallel_loop3A_286 : i32 to index
        %parallel_loop3A_289 = arith.index_cast %parallel_loop3A_287 : i32 to index
        %parallel_loop3A_290 = arith.index_cast %parallel_loop3A_232 : i32 to index
        %parallel_loop3A_291 = tpu.vector_load %arg10[%parallel_loop3A_288, %parallel_loop3A_289, %parallel_loop3A_290] {strides = array<i32>} : memref<2x8x2048xf32, #tpu.memory_space<vmem>>, vector<1x1x16xf32>,
        %parallel_loop3A_292 = vector.shape_cast %parallel_loop3A_291 : vector<1x1x16xf32> to vector<16xf32>
        %parallel_loop3A_293 = arith.addf %parallel_loop3A_285, %parallel_loop3A_292 : vector<16xf32>
        %parallel_loop3A_294 = arith.constant 1 : i32
        %parallel_loop3A_295 = arith.constant 2 : i32
        %parallel_loop3A_296 = arith.index_cast %parallel_loop3A_294 : i32 to index
        %parallel_loop3A_297 = arith.index_cast %parallel_loop3A_295 : i32 to index
        %parallel_loop3A_298 = arith.index_cast %parallel_loop3A_232 : i32 to index
        %parallel_loop3A_299 = tpu.vector_load %arg11[%parallel_loop3A_296, %parallel_loop3A_297, %parallel_loop3A_298] {strides = array<i32>} : memref<2x8x2048xf32, #tpu.memory_space<vmem>>, vector<1x1x16xf32>,
        %parallel_loop3A_300 = vector.shape_cast %parallel_loop3A_299 : vector<1x1x16xf32> to vector<16xf32>
        %parallel_loop3A_301 = vector.shape_cast %parallel_loop3A_293 : vector<16xf32> to vector<1x1x16xf32>
        tpu.vector_store %arg11[%parallel_loop3A_296, %parallel_loop3A_297, %parallel_loop3A_298], %parallel_loop3A_301 {strides = array<i32>} : memref<2x8x2048xf32, #tpu.memory_space<vmem>>, vector<1x1x16xf32>,
        %parallel_loop3A_302 = arith.constant 1 : i32
        %parallel_loop3A_303 = arith.constant 3 : i32
        %parallel_loop3A_304 = arith.index_cast %parallel_loop3A_302 : i32 to index
        %parallel_loop3A_305 = arith.index_cast %parallel_loop3A_303 : i32 to index
        %parallel_loop3A_306 = arith.index_cast %parallel_loop3A_232 : i32 to index
        %parallel_loop3A_307 = tpu.vector_load %arg9[%parallel_loop3A_304, %parallel_loop3A_305, %parallel_loop3A_306] {strides = array<i32>} : memref<2x8x2048xf32, #tpu.memory_space<vmem>>, vector<1x1x16xf32>,
        %parallel_loop3A_308 = vector.shape_cast %parallel_loop3A_307 : vector<1x1x16xf32> to vector<16xf32>
        %parallel_loop3A_309 = arith.constant 1 : i32
        %parallel_loop3A_310 = arith.constant 3 : i32
        %parallel_loop3A_311 = arith.index_cast %parallel_loop3A_309 : i32 to index
        %parallel_loop3A_312 = arith.index_cast %parallel_loop3A_310 : i32 to index
        %parallel_loop3A_313 = arith.index_cast %parallel_loop3A_232 : i32 to index
        %parallel_loop3A_314 = tpu.vector_load %arg10[%parallel_loop3A_311, %parallel_loop3A_312, %parallel_loop3A_313] {strides = array<i32>} : memref<2x8x2048xf32, #tpu.memory_space<vmem>>, vector<1x1x16xf32>,
        %parallel_loop3A_315 = vector.shape_cast %parallel_loop3A_314 : vector<1x1x16xf32> to vector<16xf32>
        %parallel_loop3A_316 = arith.addf %parallel_loop3A_308, %parallel_loop3A_315 : vector<16xf32>
        %parallel_loop3A_317 = arith.constant 1 : i32
        %parallel_loop3A_318 = arith.constant 3 : i32
        %parallel_loop3A_319 = arith.index_cast %parallel_loop3A_317 : i32 to index
        %parallel_loop3A_320 = arith.index_cast %parallel_loop3A_318 : i32 to index
        %parallel_loop3A_321 = arith.index_cast %parallel_loop3A_232 : i32 to index
        %parallel_loop3A_322 = tpu.vector_load %arg11[%parallel_loop3A_319, %parallel_loop3A_320, %parallel_loop3A_321] {strides = array<i32>} : memref<2x8x2048xf32, #tpu.memory_space<vmem>>, vector<1x1x16xf32>,
        %parallel_loop3A_323 = vector.shape_cast %parallel_loop3A_322 : vector<1x1x16xf32> to vector<16xf32>
        %parallel_loop3A_324 = vector.shape_cast %parallel_loop3A_316 : vector<16xf32> to vector<1x1x16xf32>
        tpu.vector_store %arg11[%parallel_loop3A_319, %parallel_loop3A_320, %parallel_loop3A_321], %parallel_loop3A_324 {strides = array<i32>} : memref<2x8x2048xf32, #tpu.memory_space<vmem>>, vector<1x1x16xf32>,
        %parallel_loop3A_325 = arith.constant 1 : i32
        %parallel_loop3A_326 = arith.constant 4 : i32
        %parallel_loop3A_327 = arith.index_cast %parallel_loop3A_325 : i32 to index
        %parallel_loop3A_328 = arith.index_cast %parallel_loop3A_326 : i32 to index
        %parallel_loop3A_329 = arith.index_cast %parallel_loop3A_232 : i32 to index
        %parallel_loop3A_330 = tpu.vector_load %arg9[%parallel_loop3A_327, %parallel_loop3A_328, %parallel_loop3A_329] {strides = array<i32>} : memref<2x8x2048xf32, #tpu.memory_space<vmem>>, vector<1x1x16xf32>,
        %parallel_loop3A_331 = vector.shape_cast %parallel_loop3A_330 : vector<1x1x16xf32> to vector<16xf32>
        %parallel_loop3A_332 = arith.constant 1 : i32
        %parallel_loop3A_333 = arith.constant 4 : i32
        %parallel_loop3A_334 = arith.index_cast %parallel_loop3A_332 : i32 to index
        %parallel_loop3A_335 = arith.index_cast %parallel_loop3A_333 : i32 to index
        %parallel_loop3A_336 = arith.index_cast %parallel_loop3A_232 : i32 to index
        %parallel_loop3A_337 = tpu.vector_load %arg10[%parallel_loop3A_334, %parallel_loop3A_335, %parallel_loop3A_336] {strides = array<i32>} : memref<2x8x2048xf32, #tpu.memory_space<vmem>>, vector<1x1x16xf32>,
        %parallel_loop3A_338 = vector.shape_cast %parallel_loop3A_337 : vector<1x1x16xf32> to vector<16xf32>
        %parallel_loop3A_339 = arith.addf %parallel_loop3A_331, %parallel_loop3A_338 : vector<16xf32>
        %parallel_loop3A_340 = arith.constant 1 : i32
        %parallel_loop3A_341 = arith.constant 4 : i32
        %parallel_loop3A_342 = arith.index_cast %parallel_loop3A_340 : i32 to index
        %parallel_loop3A_343 = arith.index_cast %parallel_loop3A_341 : i32 to index
        %parallel_loop3A_344 = arith.index_cast %parallel_loop3A_232 : i32 to index
        %parallel_loop3A_345 = tpu.vector_load %arg11[%parallel_loop3A_342, %parallel_loop3A_343, %parallel_loop3A_344] {strides = array<i32>} : memref<2x8x2048xf32, #tpu.memory_space<vmem>>, vector<1x1x16xf32>,
        %parallel_loop3A_346 = vector.shape_cast %parallel_loop3A_345 : vector<1x1x16xf32> to vector<16xf32>
        %parallel_loop3A_347 = vector.shape_cast %parallel_loop3A_339 : vector<16xf32> to vector<1x1x16xf32>
        tpu.vector_store %arg11[%parallel_loop3A_342, %parallel_loop3A_343, %parallel_loop3A_344], %parallel_loop3A_347 {strides = array<i32>} : memref<2x8x2048xf32, #tpu.memory_space<vmem>>, vector<1x1x16xf32>,
        %parallel_loop3A_348 = arith.constant 1 : i32
        %parallel_loop3A_349 = arith.constant 5 : i32
        %parallel_loop3A_350 = arith.index_cast %parallel_loop3A_348 : i32 to index
        %parallel_loop3A_351 = arith.index_cast %parallel_loop3A_349 : i32 to index
        %parallel_loop3A_352 = arith.index_cast %parallel_loop3A_232 : i32 to index
        %parallel_loop3A_353 = tpu.vector_load %arg9[%parallel_loop3A_350, %parallel_loop3A_351, %parallel_loop3A_352] {strides = array<i32>} : memref<2x8x2048xf32, #tpu.memory_space<vmem>>, vector<1x1x16xf32>,
        %parallel_loop3A_354 = vector.shape_cast %parallel_loop3A_353 : vector<1x1x16xf32> to vector<16xf32>
        %parallel_loop3A_355 = arith.constant 1 : i32
        %parallel_loop3A_356 = arith.constant 5 : i32
        %parallel_loop3A_357 = arith.index_cast %parallel_loop3A_355 : i32 to index
        %parallel_loop3A_358 = arith.index_cast %parallel_loop3A_356 : i32 to index
        %parallel_loop3A_359 = arith.index_cast %parallel_loop3A_232 : i32 to index
        %parallel_loop3A_360 = tpu.vector_load %arg10[%parallel_loop3A_357, %parallel_loop3A_358, %parallel_loop3A_359] {strides = array<i32>} : memref<2x8x2048xf32, #tpu.memory_space<vmem>>, vector<1x1x16xf32>,
        %parallel_loop3A_361 = vector.shape_cast %parallel_loop3A_360 : vector<1x1x16xf32> to vector<16xf32>
        %parallel_loop3A_362 = arith.addf %parallel_loop3A_354, %parallel_loop3A_361 : vector<16xf32>
        %parallel_loop3A_363 = arith.constant 1 : i32
        %parallel_loop3A_364 = arith.constant 5 : i32
        %parallel_loop3A_365 = arith.index_cast %parallel_loop3A_363 : i32 to index
        %parallel_loop3A_366 = arith.index_cast %parallel_loop3A_364 : i32 to index
        %parallel_loop3A_367 = arith.index_cast %parallel_loop3A_232 : i32 to index
        %parallel_loop3A_368 = tpu.vector_load %arg11[%parallel_loop3A_365, %parallel_loop3A_366, %parallel_loop3A_367] {strides = array<i32>} : memref<2x8x2048xf32, #tpu.memory_space<vmem>>, vector<1x1x16xf32>,
        %parallel_loop3A_369 = vector.shape_cast %parallel_loop3A_368 : vector<1x1x16xf32> to vector<16xf32>
        %parallel_loop3A_370 = vector.shape_cast %parallel_loop3A_362 : vector<16xf32> to vector<1x1x16xf32>
        tpu.vector_store %arg11[%parallel_loop3A_365, %parallel_loop3A_366, %parallel_loop3A_367], %parallel_loop3A_370 {strides = array<i32>} : memref<2x8x2048xf32, #tpu.memory_space<vmem>>, vector<1x1x16xf32>,
        %parallel_loop3A_371 = arith.constant 1 : i32
        %parallel_loop3A_372 = arith.constant 6 : i32
        %parallel_loop3A_373 = arith.index_cast %parallel_loop3A_371 : i32 to index
        %parallel_loop3A_374 = arith.index_cast %parallel_loop3A_372 : i32 to index
        %parallel_loop3A_375 = arith.index_cast %parallel_loop3A_232 : i32 to index
        %parallel_loop3A_376 = tpu.vector_load %arg9[%parallel_loop3A_373, %parallel_loop3A_374, %parallel_loop3A_375] {strides = array<i32>} : memref<2x8x2048xf32, #tpu.memory_space<vmem>>, vector<1x1x16xf32>,
        %parallel_loop3A_377 = vector.shape_cast %parallel_loop3A_376 : vector<1x1x16xf32> to vector<16xf32>
        %parallel_loop3A_378 = arith.constant 1 : i32
        %parallel_loop3A_379 = arith.constant 6 : i32
        %parallel_loop3A_380 = arith.index_cast %parallel_loop3A_378 : i32 to index
        %parallel_loop3A_381 = arith.index_cast %parallel_loop3A_379 : i32 to index
        %parallel_loop3A_382 = arith.index_cast %parallel_loop3A_232 : i32 to index
        %parallel_loop3A_383 = tpu.vector_load %arg10[%parallel_loop3A_380, %parallel_loop3A_381, %parallel_loop3A_382] {strides = array<i32>} : memref<2x8x2048xf32, #tpu.memory_space<vmem>>, vector<1x1x16xf32>,
        %parallel_loop3A_384 = vector.shape_cast %parallel_loop3A_383 : vector<1x1x16xf32> to vector<16xf32>
        %parallel_loop3A_385 = arith.addf %parallel_loop3A_377, %parallel_loop3A_384 : vector<16xf32>
        %parallel_loop3A_386 = arith.constant 1 : i32
        %parallel_loop3A_387 = arith.constant 6 : i32
        %parallel_loop3A_388 = arith.index_cast %parallel_loop3A_386 : i32 to index
        %parallel_loop3A_389 = arith.index_cast %parallel_loop3A_387 : i32 to index
        %parallel_loop3A_390 = arith.index_cast %parallel_loop3A_232 : i32 to index
        %parallel_loop3A_391 = tpu.vector_load %arg11[%parallel_loop3A_388, %parallel_loop3A_389, %parallel_loop3A_390] {strides = array<i32>} : memref<2x8x2048xf32, #tpu.memory_space<vmem>>, vector<1x1x16xf32>,
        %parallel_loop3A_392 = vector.shape_cast %parallel_loop3A_391 : vector<1x1x16xf32> to vector<16xf32>
        %parallel_loop3A_393 = vector.shape_cast %parallel_loop3A_385 : vector<16xf32> to vector<1x1x16xf32>
        tpu.vector_store %arg11[%parallel_loop3A_388, %parallel_loop3A_389, %parallel_loop3A_390], %parallel_loop3A_393 {strides = array<i32>} : memref<2x8x2048xf32, #tpu.memory_space<vmem>>, vector<1x1x16xf32>,
        %parallel_loop3A_394 = arith.constant 1 : i32
        %parallel_loop3A_395 = arith.constant 7 : i32
        %parallel_loop3A_396 = arith.index_cast %parallel_loop3A_394 : i32 to index
        %parallel_loop3A_397 = arith.index_cast %parallel_loop3A_395 : i32 to index
        %parallel_loop3A_398 = arith.index_cast %parallel_loop3A_232 : i32 to index
        %parallel_loop3A_399 = tpu.vector_load %arg9[%parallel_loop3A_396, %parallel_loop3A_397, %parallel_loop3A_398] {strides = array<i32>} : memref<2x8x2048xf32, #tpu.memory_space<vmem>>, vector<1x1x16xf32>,
        %parallel_loop3A_400 = vector.shape_cast %parallel_loop3A_399 : vector<1x1x16xf32> to vector<16xf32>
        %parallel_loop3A_401 = arith.constant 1 : i32
        %parallel_loop3A_402 = arith.constant 7 : i32
        %parallel_loop3A_403 = arith.index_cast %parallel_loop3A_401 : i32 to index
        %parallel_loop3A_404 = arith.index_cast %parallel_loop3A_402 : i32 to index
        %parallel_loop3A_405 = arith.index_cast %parallel_loop3A_232 : i32 to index
        %parallel_loop3A_406 = tpu.vector_load %arg10[%parallel_loop3A_403, %parallel_loop3A_404, %parallel_loop3A_405] {strides = array<i32>} : memref<2x8x2048xf32, #tpu.memory_space<vmem>>, vector<1x1x16xf32>,
        %parallel_loop3A_407 = vector.shape_cast %parallel_loop3A_406 : vector<1x1x16xf32> to vector<16xf32>
        %parallel_loop3A_408 = arith.addf %parallel_loop3A_400, %parallel_loop3A_407 : vector<16xf32>
        %parallel_loop3A_409 = arith.constant 1 : i32
        %parallel_loop3A_410 = arith.constant 7 : i32
        %parallel_loop3A_411 = arith.index_cast %parallel_loop3A_409 : i32 to index
        %parallel_loop3A_412 = arith.index_cast %parallel_loop3A_410 : i32 to index
        %parallel_loop3A_413 = arith.index_cast %parallel_loop3A_232 : i32 to index
        %parallel_loop3A_414 = tpu.vector_load %arg11[%parallel_loop3A_411, %parallel_loop3A_412, %parallel_loop3A_413] {strides = array<i32>} : memref<2x8x2048xf32, #tpu.memory_space<vmem>>, vector<1x1x16xf32>,
        %parallel_loop3A_415 = vector.shape_cast %parallel_loop3A_414 : vector<1x1x16xf32> to vector<16xf32>
        %parallel_loop3A_416 = vector.shape_cast %parallel_loop3A_408 : vector<16xf32> to vector<1x1x16xf32>
        tpu.vector_store %arg11[%parallel_loop3A_411, %parallel_loop3A_412, %parallel_loop3A_413], %parallel_loop3A_416 {strides = array<i32>} : memref<2x8x2048xf32, #tpu.memory_space<vmem>>, vector<1x1x16xf32>,
      } {sc.loop_unroll_factor = 4 : i64, sc.parallel_access}
      %mul3A_207 = arith.constant 8 : i32
      %mul3A_208 = arith.muli %add3A_173, %mul3A_207 : i32
      %multiple_of3A_209 = tpu.assume_multiple %mul3A_208, 8 : i32
      %add3A_210 = arith.addi %mul3A_38, %multiple_of3A_209 : i32
      %dma_start3A_211 = arith.constant 1 : i32
      %dma_start3A_212 = arith.constant 0 : i32
      %dma_start3A_213 = arith.constant 0 : i32
      %dma_start3A_214 = tpu.memref_slice %arg11[%dma_start3A_211, %dma_start3A_212, %dma_start3A_213] : memref<2x8x2048xf32, #tpu.memory_space<vmem>> -> memref<1x8x2048xf32, #tpu.memory_space<vmem>>
      %dma_start3A_215 = tpu.memref_squeeze %dma_start3A_214 : memref<1x8x2048xf32, #tpu.memory_space<vmem>> -> memref<8x2048xf32, #tpu.memory_space<vmem>>
      %dma_start3A_216 = arith.constant 0 : i32
      %dma_start3A_217 = tpu.memref_slice %arg6[%add3A_210, %dma_start3A_216] : memref<8192x2048xf32, #tpu.memory_space<hbm>> -> memref<8x2048xf32, #tpu.memory_space<hbm>>
      %dma_start3A_218 = arith.constant 0 : i32
      %dma_start3A_219 = tpu.memref_slice %arg6[%add3A_210, %dma_start3A_218] : memref<8192x2048xf32, #tpu.memory_space<hbm>> -> memref<8x2048xf32, #tpu.memory_space<hbm>>
      %dma_start3A_220 = arith.constant 0 : i32
      %dma_start3A_221 = arith.constant 0 : i32
      %dma_start3A_222 = tpu.memref_slice %arg11[%dma_start3A_211, %dma_start3A_220, %dma_start3A_221] : memref<2x8x2048xf32, #tpu.memory_space<vmem>> -> memref<1x8x2048xf32, #tpu.memory_space<vmem>>
      %dma_start3A_223 = tpu.memref_squeeze %dma_start3A_222 : memref<1x8x2048xf32, #tpu.memory_space<vmem>> -> memref<8x2048xf32, #tpu.memory_space<vmem>>
      tpu.enqueue_dma source(%dma_start3A_223 : memref<8x2048xf32, #tpu.memory_space<vmem>>) target(%dma_start3A_219 : memref<8x2048xf32, #tpu.memory_space<hbm>>) target_semaphore(%arg17 : memref<!tpu.dma_semaphore, #tpu.memory_space<semaphore_mem>>)
      %not3A_224 = arith.constant true
      %not3A_225 = arith.xori %eq3A_177, %not3A_224 : i1
      %convert_element_type3A_226 = arith.extui %not3A_225 : i1 to i32
      %cond3A_227 = arith.constant 0 : i32
      %cond3A_228 = arith.cmpi ne, %convert_element_type3A_226, %cond3A_227 : i32
      scf.if %cond3A_228 {
        %add3A_229 = arith.constant 2 : i32
        %add3A_230 = arith.addi %add3A_173, %add3A_229 : i32
        %mul3A_231 = arith.constant 8 : i32
        %mul3A_232 = arith.muli %add3A_230, %mul3A_231 : i32
        %multiple_of3A_233 = tpu.assume_multiple %mul3A_232, 8 : i32
        %dma_start3A_234 = arith.constant 1 : i32
        %dma_start3A_235 = arith.constant 0 : i32
        %dma_start3A_236 = arith.constant 0 : i32
        %dma_start3A_237 = tpu.memref_slice %arg9[%dma_start3A_234, %dma_start3A_235, %dma_start3A_236] : memref<2x8x2048xf32, #tpu.memory_space<vmem>> -> memref<1x8x2048xf32, #tpu.memory_space<vmem>>
        %dma_start3A_238 = tpu.memref_squeeze %dma_start3A_237 : memref<1x8x2048xf32, #tpu.memory_space<vmem>> -> memref<8x2048xf32, #tpu.memory_space<vmem>>
        %dma_start3A_239 = tpu.memref_slice %arg7[%multiple_of3A_233] : memref<256xi32, #tpu.memory_space<vmem>> -> memref<8xi32, #tpu.memory_space<vmem>>
        %dma_start3A_240 = arith.constant 0 : i32
        %dma_start3A_241 = arith.constant 0 : i32
        %dma_start3A_242 = tpu.memref_slice %arg4[%dma_start3A_240, %dma_start3A_241] : memref<50272x2048xf32, #tpu.memory_space<hbm>> -> memref<50272x2048xf32, #tpu.memory_space<hbm>>
        tpu.enqueue_indirect_dma source(%dma_start3A_242 : memref<50272x2048xf32, #tpu.memory_space<hbm>>) target(%dma_start3A_238 : memref<8x2048xf32, #tpu.memory_space<vmem>>) offsets(%dma_start3A_239 : memref<8xi32, #tpu.memory_space<vmem>>) semaphore(%arg13 : memref<!tpu.dma_semaphore, #tpu.memory_space<semaphore_mem>>)
        %dma_start3A_243 = arith.constant 1 : i32
        %dma_start3A_244 = arith.constant 0 : i32
        %dma_start3A_245 = arith.constant 0 : i32
        %dma_start3A_246 = tpu.memref_slice %arg10[%dma_start3A_243, %dma_start3A_244, %dma_start3A_245] : memref<2x8x2048xf32, #tpu.memory_space<vmem>> -> memref<1x8x2048xf32, #tpu.memory_space<vmem>>
        %dma_start3A_247 = tpu.memref_squeeze %dma_start3A_246 : memref<1x8x2048xf32, #tpu.memory_space<vmem>> -> memref<8x2048xf32, #tpu.memory_space<vmem>>
        %dma_start3A_248 = tpu.memref_slice %arg8[%multiple_of3A_233] : memref<256xi32, #tpu.memory_space<vmem>> -> memref<8xi32, #tpu.memory_space<vmem>>
        %dma_start3A_249 = arith.constant 0 : i32
        %dma_start3A_250 = arith.constant 0 : i32
        %dma_start3A_251 = tpu.memref_slice %arg5[%dma_start3A_249, %dma_start3A_250] : memref<2050x2048xf32, #tpu.memory_space<hbm>> -> memref<2050x2048xf32, #tpu.memory_space<hbm>>
        tpu.enqueue_indirect_dma source(%dma_start3A_251 : memref<2050x2048xf32, #tpu.memory_space<hbm>>) target(%dma_start3A_247 : memref<8x2048xf32, #tpu.memory_space<vmem>>) offsets(%dma_start3A_248 : memref<8xi32, #tpu.memory_space<vmem>>) semaphore(%arg15 : memref<!tpu.dma_semaphore, #tpu.memory_space<semaphore_mem>>)
      } else {
      }
    }
    %scan3A_81 = arith.constant 16 : i32
    %multiple_of3A_82 = arith.constant 240 : i32
    %multiple_of3A_83 = tpu.assume_multiple %multiple_of3A_82, 8 : i32
    %add3A_84 = arith.addi %mul3A_38, %multiple_of3A_83 : i32
    %dma_wait3A = arith.constant 0 : i32
    %dma_wait3A_85 = arith.constant 0 : i32
    %dma_wait3A_86 = arith.constant 0 : i32
    %dma_wait3A_87 = tpu.memref_slice %arg11[%dma_wait3A, %dma_wait3A_85, %dma_wait3A_86] : memref<2x8x2048xf32, #tpu.memory_space<vmem>> -> memref<1x8x2048xf32, #tpu.memory_space<vmem>>
    %dma_wait3A_88 = tpu.memref_squeeze %dma_wait3A_87 : memref<1x8x2048xf32, #tpu.memory_space<vmem>> -> memref<8x2048xf32, #tpu.memory_space<vmem>>
    %dma_wait3A_89 = arith.constant 0 : i32
    %dma_wait3A_90 = tpu.memref_slice %arg6[%add3A_84, %dma_wait3A_89] : memref<8192x2048xf32, #tpu.memory_space<hbm>> -> memref<8x2048xf32, #tpu.memory_space<hbm>>
    %dma_wait3A_91 = arith.constant 0 : i32
    %dma_wait3A_92 = tpu.memref_slice %arg6[%add3A_84, %dma_wait3A_91] : memref<8192x2048xf32, #tpu.memory_space<hbm>> -> memref<8x2048xf32, #tpu.memory_space<hbm>>
    %dma_wait3A_93 = arith.constant 0 : i32
    %dma_wait3A_94 = arith.constant 0 : i32
    %dma_wait3A_95 = tpu.memref_slice %arg11[%dma_wait3A, %dma_wait3A_93, %dma_wait3A_94] : memref<2x8x2048xf32, #tpu.memory_space<vmem>> -> memref<1x8x2048xf32, #tpu.memory_space<vmem>>
    %dma_wait3A_96 = tpu.memref_squeeze %dma_wait3A_95 : memref<1x8x2048xf32, #tpu.memory_space<vmem>> -> memref<8x2048xf32, #tpu.memory_space<vmem>>
    tpu.wait_dma2 semaphore(%arg16 : memref<!tpu.dma_semaphore, #tpu.memory_space<semaphore_mem>>) src(%dma_wait3A_96 : memref<8x2048xf32, #tpu.memory_space<vmem>>) dst(%dma_wait3A_92 : memref<8x2048xf32, #tpu.memory_space<hbm>>)
    %multiple_of3A_97 = arith.constant 248 : i32
    %multiple_of3A_98 = tpu.assume_multiple %multiple_of3A_97, 8 : i32
    %add3A_99 = arith.addi %mul3A_38, %multiple_of3A_98 : i32
    %dma_wait3A_100 = arith.constant 1 : i32
    %dma_wait3A_101 = arith.constant 0 : i32
    %dma_wait3A_102 = arith.constant 0 : i32
    %dma_wait3A_103 = tpu.memref_slice %arg11[%dma_wait3A_100, %dma_wait3A_101, %dma_wait3A_102] : memref<2x8x2048xf32, #tpu.memory_space<vmem>> -> memref<1x8x2048xf32, #tpu.memory_space<vmem>>
    %dma_wait3A_104 = tpu.memref_squeeze %dma_wait3A_103 : memref<1x8x2048xf32, #tpu.memory_space<vmem>> -> memref<8x2048xf32, #tpu.memory_space<vmem>>
    %dma_wait3A_105 = arith.constant 0 : i32
    %dma_wait3A_106 = tpu.memref_slice %arg6[%add3A_99, %dma_wait3A_105] : memref<8192x2048xf32, #tpu.memory_space<hbm>> -> memref<8x2048xf32, #tpu.memory_space<hbm>>
    %dma_wait3A_107 = arith.constant 0 : i32
    %dma_wait3A_108 = tpu.memref_slice %arg6[%add3A_99, %dma_wait3A_107] : memref<8192x2048xf32, #tpu.memory_space<hbm>> -> memref<8x2048xf32, #tpu.memory_space<hbm>>
    %dma_wait3A_109 = arith.constant 0 : i32
    %dma_wait3A_110 = arith.constant 0 : i32
    %dma_wait3A_111 = tpu.memref_slice %arg11[%dma_wait3A_100, %dma_wait3A_109, %dma_wait3A_110] : memref<2x8x2048xf32, #tpu.memory_space<vmem>> -> memref<1x8x2048xf32, #tpu.memory_space<vmem>>
    %dma_wait3A_112 = tpu.memref_squeeze %dma_wait3A_111 : memref<1x8x2048xf32, #tpu.memory_space<vmem>> -> memref<8x2048xf32, #tpu.memory_space<vmem>>
    tpu.wait_dma2 semaphore(%arg17 : memref<!tpu.dma_semaphore, #tpu.memory_space<semaphore_mem>>) src(%dma_wait3A_112 : memref<8x2048xf32, #tpu.memory_space<vmem>>) dst(%dma_wait3A_108 : memref<8x2048xf32, #tpu.memory_space<hbm>>)
    return
  }
}

</mosaic_0001>

<sc_bundles>
// kernel: _embed_lookup.3.cloned.1.call-start
scs
__scs_entry_jumppad:
0x0: {  	(pc) =	sbr.rel $0x88, $3  }
0x1: {  	(tag) =	ssettag $0x0;
	lr =	simm.s32 $0x1  }
0x2: {  	[smem:$0x3F9D] =	sst lr;
	_ =	strace $0xD0000000  }
0x3: {  	_ = 	snop  }
0x4: {  	_ = 	snop  }
0x5: {  	_ = 	snop  }
0x6: {  	_ = 	snop  }
0x7: {  	_ = 	snop  }
__scs_overlays_trampoline_lowered:
0x8: {  	[smem:$0x3FAC] =	sst s0  }
0x9: {  	[smem:$0x3FAD] =	sst s1  }
0xa: {  	[smem:$0x3FAE] =	sst s2  }
0xb: {  	[smem:$0x3FAF] =	sst s3  }
0xc: {  	[smem:$0x3FB0] =	sst s4  }
0xd: {  	[smem:$0x3FB1] =	sst s5  }
0xe: {  	[smem:$0x3FB2] =	sst s6  }
0xf: {  	[smem:$0x3FB3] =	sst s7  }
0x10: {  	[smem:$0x3FB4] =	sst s8  }
0x11: {  	[smem:$0x3FB5] =	sst s9;
	s0 =	simm.s32 @!p0 $0x0  }
0x12: {  	s1 =	sld [smem:$0x3F9B];
	s0 =	simm.s32 @p0 $0x1  }
0x13: {  	[smem:$0x3FB6] =	sst s0;
	s0 =	simm.s32 @!p1 $0x0  }
0x14: {  	s2 =	sld [smem:$0x3F9A];
	s0 =	simm.s32 @p1 $0x1  }
0x15: {  	[smem:$0x3FB7] =	sst s0;
	s0 =	simm.s32 @!p2 $0x0  }
0x16: {  	s3 =	sld [smem:$0x3FDB];
	s0 =	simm.s32 @p2 $0x1  }
0x17: {  	s4 =	simm.s32 $0x1BF5;
	[smem:$0x3FB9] =	sst s0  }
0x18: {  	s0 =	sld [smem:$0x3F9C];
	_ =	swait.ge [sflag:s4], $0x0  }
0x19: {  	s7 =	sld [smem:$0x3F9D]  }
0x1a: {  	s8 =	sadd.s32 $0xFFFFE003, lr  }
0x1b: {  	s9 =	sadd.s32 $0xFFFFFEF7, lr;
	s5 =	simm.s32 $0xFFFFFFFF;
	p2 =	slt.u32 s8, $0xFFFFF086  }
0x1c: {  	p1 =	slt.u32 s9, $0xF7A;
	s5 =	simm.s32 @!p2 $0x0  }
0x1d: {  	s5 =	simm.s32 @p1 $0x1;
	p0 =	seq.s32 s7, s2  }
0x1e: {  	s7 =	smul.u32 @!p0 $0xF7A, s2;
	p2 =	seq.s32 @!p0 s5, $0x0  }
0x1f: {  	s9 =	smul.u32 $0xF7A, s1;
	s8 =	simm.s32 @!p0 $0x1BF5;
	p2 =	por !p2, p0  }
0x20: {  	[sflag:s8] =	ssyncset.s32 @!p0 $0xFFFFF086;
	s6 =	sadd.s32 @!p0 s3, s7;
	s7 =	simm.s32 @!p0 $0x108  }
0x21: {  	s3 =	sadd.s32 s3, s9;
	s6 =	sadd.s32 @!p0 $0x88, s6;
	s7 =	simm.s32 @p2 $0x1082  }
0x22: {  	[simem:s7], [sflag:s8] =	dma.local @!p0 [hbm:s6], $0xF7A  }
0x23: {  	s9 =	sor.u32 $0xD0000000, s2;
	s6 =	simm.s32 $0x108;
	_ =	swait.ge @!p0 [sflag:s8], $0x0  }
0x24: {  	s3 =	sadd.s32 $0x88, s3;
	s6 =	simm.s32 @!p1 $0x1082;
	[sflag:s4] =	ssyncset.s32 $0xFFFFF086  }
0x25: {  	[simem:s6], [sflag:s4] =	dma.local [hbm:s3], $0xF7A  }
0x26: {  	[smem:$0x3F9D] =	sst s1;
	(tag) =	ssettag s2;
	_ =	strace s9  }
0x27: {  	s1 =	sld [smem:$0x3FAD]  }
0x28: {  	s2 =	sld [smem:$0x3FAE]  }
0x29: {  	s4 =	sld [smem:$0x3FB0]  }
0x2a: {  	p0 =	seq.s32 s5, $0x0;
	s5 =	sld [smem:$0x3FB1]  }
0x2b: {  	s6 =	sld [smem:$0x3FB2]  }
0x2c: {  	s7 =	sld [smem:$0x3FB3]  }
0x2d: {  	s3 =	simm.s32 $0x108;
	s8 =	sld [smem:$0x3FB4]  }
0x2e: {  	s3 =	simm.s32 @!p0 $0x1082;
	s9 =	sld [smem:$0x3FB5]  }
0x2f: {  	lr =	sadd.s32 s0, s3;
	s0 =	sld [smem:$0x3FAC]  }
0x30: {  	s3 =	sld [smem:$0x3FAF]  }
0x31: {  	[smem:$0x3FB8] =	sst s10  }
0x32: {  	s10 =	sld [smem:$0x3FB6];
	_ =	sdelay $0x3  }
0x33: {  	p0 =	seq.s32 s10, $0x1;
	s10 =	sld [smem:$0x3FB8];
	_ =	sdelay $0x3  }
0x34: {  	[smem:$0x3FB8] =	sst s10  }
0x35: {  	s10 =	sld [smem:$0x3FB7];
	_ =	sdelay $0x3  }
0x36: {  	p1 =	seq.s32 s10, $0x1;
	s10 =	sld [smem:$0x3FB8];
	_ =	sdelay $0x3  }
0x37: {  	[smem:$0x3FB8] =	sst s10  }
0x38: {  	s10 =	sld [smem:$0x3FB9]  }
0x39: {  	_ = 	snop;
	(pc) =	sbr.ind lr, $3  }
0x3a: {  	_ = 	snop  }
0x3b: {  	_ = 	snop  }
0x3c: {  	p2 =	seq.s32 s10, $0x1;
	s10 =	sld [smem:$0x3FB8]  }
0x3d: {  	_ =	shalt  }
0x3e: {  	_ =	shalt  }
0x3f: {  	_ =	shalt  }
0x40: {  	_ =	shalt  }
0x41: {  	_ =	shalt  }
0x42: {  	_ =	shalt  }
0x43: {  	_ =	shalt  }
0x44: {  	_ =	shalt  }
0x45: {  	_ =	shalt  }
0x46: {  	_ =	shalt  }
0x47: {  	_ =	shalt  }
0x48: {  	_ =	shalt  }
0x49: {  	_ =	shalt  }
0x4a: {  	_ =	shalt  }
0x4b: {  	_ =	shalt  }
0x4c: {  	_ =	shalt  }
0x4d: {  	_ =	shalt  }
0x4e: {  	_ =	shalt  }
0x4f: {  	_ =	shalt  }
0x50: {  	_ =	shalt  }
0x51: {  	_ =	shalt  }
0x52: {  	_ =	shalt  }
0x53: {  	_ =	shalt  }
0x54: {  	_ =	shalt  }
0x55: {  	_ =	shalt  }
0x56: {  	_ =	shalt  }
0x57: {  	_ =	shalt  }
0x58: {  	_ =	shalt  }
0x59: {  	_ =	shalt  }
0x5a: {  	_ =	shalt  }
0x5b: {  	_ =	shalt  }
0x5c: {  	_ =	shalt  }
0x5d: {  	_ =	shalt  }
0x5e: {  	_ =	shalt  }
0x5f: {  	_ =	shalt  }
0x60: {  	_ =	shalt  }
0x61: {  	_ =	shalt  }
0x62: {  	_ =	shalt  }
0x63: {  	_ =	shalt  }
0x64: {  	_ =	shalt  }
0x65: {  	_ =	shalt  }
0x66: {  	_ =	shalt  }
0x67: {  	_ =	shalt  }
0x68: {  	_ =	shalt  }
0x69: {  	_ =	shalt  }
0x6a: {  	_ =	shalt  }
0x6b: {  	_ =	shalt  }
0x6c: {  	_ =	shalt  }
0x6d: {  	_ =	shalt  }
0x6e: {  	_ =	shalt  }
0x6f: {  	_ =	shalt  }
0x70: {  	_ =	shalt  }
0x71: {  	_ =	shalt  }
0x72: {  	_ =	shalt  }
0x73: {  	_ =	shalt  }
0x74: {  	_ =	shalt  }
0x75: {  	_ =	shalt  }
0x76: {  	_ =	shalt  }
0x77: {  	_ =	shalt  }
0x78: {  	_ =	shalt  }
0x79: {  	_ =	shalt  }
0x7a: {  	_ =	shalt  }
0x7b: {  	_ =	shalt  }
0x7c: {  	_ =	shalt  }
0x7d: {  	_ =	shalt  }
0x7e: {  	_ =	shalt  }
0x7f: {  	_ =	shalt  }
0x80: {  	_ =	shalt  }
0x81: {  	_ =	shalt  }
0x82: {  	_ =	shalt  }
0x83: {  	_ =	shalt  }
0x84: {  	_ =	shalt  }
0x85: {  	_ =	shalt  }
0x86: {  	_ =	shalt  }
0x87: {  	_ =	shalt  }
.Lfunc_end0:
.L_simem_size_0:
called_computation_lowered:
.L_overlay_start_0:
0x88: {  	s2 =	sld [smem:$0x3FD9]  }
0x89: {  	s3 =	sld [smem:$0x3FFE];
	_ =	sdelay $0x1  }
0x8a: {  	s1 =	srdreg.scid  }
0x8b: {  	s0 =	sand.u32 $0x1, s1  }
0x8c: {  	s18 =	sshll.u32 s0, $0xA;
	s2 =	sadd.s32 s3, s2  }
0x8d: {  	s2 =	sadd.s32 s2, s18  }
0x8e: {  	[smem:$0x3FC4] =	sst s2  }
0x8f: {  	_ = 	snop  }
0x90: {  	s2 =	sld [smem:$0x3FC9]  }
0x91: {  	s19 =	sld [smem:$0x3FC8]  }
0x92: {  	s4 =	sld [smem:$0x3FC7]  }
0x93: {  	s5 =	sld [smem:$0x3FC6]  }
0x94: {  	s6 =	sld [smem:$0x3FD0];
	(tm) =	ssettm $0x1  }
0x95: {  	s7 =	sld [smem:$0x3FFB];
	_ =	sdelay $0x3  }
0x96: {  	_ =	strace s7  }
0x97: {  	s7 =	sld [smem:$0x3FFC];
	_ =	sdelay $0x3  }
0x98: {  	_ =	strace s7  }
0x99: {  	s7 =	sld [smem:$0x3FFD];
	_ =	sdelay $0x3  }
0x9a: {  	_ =	strace s7  }
0x9b: {  	_ =	strace $0x8FFFFFFF  }
0x9c: {  	s20 =	sld [smem:$0x3FDB];
	_ =	sdelay $0x1  }
0x9d: {  	s8 =	simm.s32 $_scs_section_size  }
0x9e: {  	s9 =	simm.s32 $_size__tile_overlayer_lowered;
	s10 =	simm.s32 $_tile_overlayer_lowered  }
0x9f: {  	s23 =	simm.s32 $0x1BFF;
	s22 =	sshll.u32 s10, $0x1;
	s7 =	sadd.s32 s8, s20  }
0xa0: {  	s11 =	simm.s32 $0x0;
	s21 =	sshll.u32 s9, $0x1;
	s9 =	sadd.s32 s22, s7  }
0xa1: {  	[timem:s11], [sflag:s23] =	dma.local [hbm:s9], s21  }
0xa2: {  	_ =	swait.ge [sflag:s23], s21  }
0xa3: {  	s8 =	ssub.s32 $0x0, s21;
	[sflag:s23] =	ssyncset.done $0x0  }
0xa4: {  	[sflag:s23] =	ssyncadd.s32 s8;
	_ =	sdelay $0x1  }
0xa5: {  	s24 =	simm.s32 $0x1B8B  }
0xa6: {  	_ =	swait.ge [sflag:s24], $0x1  }
0xa7: {  	[sflag:s24] =	ssyncset.done $0x0  }
0xa8: {  	s25 =	simm.s32 $0x1B8E;
	[sflag:s24] =	ssyncadd.s32 $0xFFFFFFFF  }
0xa9: {  	s26 =	simm.s32 $execute0_lowered;
	[smem:$0x3FD2] =	sst s25  }
0xaa: {  	s8 =	sshll.u32 s26, $0x1;
	_ =	strace $0x80000046;
	[dreg:$0x1] =	wrdreg $0xFFFFFFFF  }
0xab: {  	s28 =	simm.s32 $_size_execute0_lowered;
	s7 =	sadd.s32 s7, s8;
	[dreg:$0x0] =	wrdreg $0x0  }
0xac: {  	s8 =	sshll.u32 s28, $0x1;
	[dreg:$0x2] =	wrdreg s7  }
0xad: {  	[dreg:$0x3] =	wrdreg s8  }
0xae: {  	[dreg:$0x4] =	wrdreg $0xC0  }
0xaf: {  	_ =	task [dreg:s11], $0x5FFFF  }
0xb0: {  	[dreg:$0x1] =	wrdreg $0xFFFFFFFF  }
0xb1: {  	[dreg:$0x0] =	wrdreg $0x60  }
0xb2: {  	[dreg:$0x2] =	wrdreg s2  }
0xb3: {  	[dreg:$0x3] =	wrdreg s19  }
0xb4: {  	[dreg:$0x4] =	wrdreg s4  }
0xb5: {  	[dreg:$0x5] =	wrdreg s5  }
0xb6: {  	[dreg:$0x6] =	wrdreg s6  }
0xb7: {  	[dreg:$0x7] =	wrdreg $0x9  }
0xb8: {  	_ =	task.clear_ibuf [dreg:s11], $0x8FFFF;
	_ =	strace $0x90000046  }
0xb9: {  	s29 =	simm.s32 $0x9;
	_ =	strace $0x80000048  }
0xba: {  	_ =	swait.ge [sflag:s29], $0x1  }
0xbb: {  	[sflag:s29] =	ssyncadd.s32 $0xFFFFFFFF  }
0xbc: {  	_ =	strace $0x90000048  }
0xbd: {  	_ =	sfence  }
0xbe: {  	s30 =	sld [smem:$0x0];
	_ =	sdelay $0x2  }
0xbf: {  	s31 =	sshll.u32 s1, $0xD;
	s1 =	sshrl.u32 s1, $0x2  }
0xc0: {  	s3 =	sand.u32 $0x4000, s31;
	s1 =	sadd.s32 s1, s30  }
0xc1: {  	s0 =	sor.u32 s3, s0;
	s1 =	sshll.u32 s1, $0x11  }
0xc2: {  	s0 =	sor.u32 s1, s0  }
0xc3: {  	s0 =	sadd.s32 $0x8F2B, s0  }
0xc4: {  	[sflag:s0] =	ssyncadd.remote.s32 $0x1  }
0xc5: {  	_ =	sfence.sel $0xFFFF  }
0xc6: {  	[dreg:$0x0] =	wrdreg $0xFFFFFFFF;
	(pc) =	sbr.abs _section_cstart, $3  }
0xc7: {  	[dreg:$0x1] =	wrdreg $0xFFFFFFFF  }
0xc8: {  	_ =	task.clear_ibuf [dreg:s11], $0x2FFFF;
	_ =	strace $0x9FFFFFFF  }
0xc9: {  	(tm) =	ssettm $0x7FFFFFFF  }
tec
execute0_lowered:
.L_overlay_start_1:
0x0: {  	(tag) =	ssettag $0x1  }
0x1: {  	s0 =	rddreg [dreg:$0x0]  }
0x2: {  	s1 =	rddreg [dreg:$0x1]  }
0x3: {  	s16 =	rddreg [dreg:$0x2]  }
0x4: {  	s9 =	rddreg [dreg:$0x3]  }
0x5: {  	s3 =	rddreg [dreg:$0x4];
	s4 =	simm.s32 $0x0  }
0x6: {  	[smem:$0x7FF] =	sst s4;
	s19 =	sadd.s32 $0x100, s16  }
0x7: {  	s20 =	sadd.s32 $0x200, s16;
	_ =	strace $0x80000047;
	[dreg:$0x8] =	wrdreg s19  }
0x8: {  	s2 =	srdreg.scid;
	s21 =	sadd.s32 $0x300, s16;
	[dreg:$0x9] =	wrdreg s20  }
0x9: {  	s7 =	stileid.u32;
	s22 =	sadd.s32 $0x400, s16;
	[dreg:$0xa] =	wrdreg s21  }
0xa: {  	s2 =	sand.u32 $0x1, s2;
	s23 =	sadd.s32 $0x500, s16;
	[dreg:$0xb] =	wrdreg s22  }
0xb: {  	s5 =	sshll.u32 s7, $0x1;
	s24 =	sadd.s32 $0x600, s16;
	[dreg:$0xc] =	wrdreg s23  }
0xc: {  	s7 =	sshll.u32 s7, $0x2;
	s25 =	sadd.s32 $0x700, s16;
	[dreg:$0xd] =	wrdreg s24  }
0xd: {  	s26 =	sadd.s32 $0x100, s9;
	s28 =	sadd.s32 $0x200, s9;
	[dreg:$0xe] =	wrdreg s25  }
0xe: {  	s29 =	sadd.s32 $0x300, s9;
	s30 =	sadd.s32 $0x400, s9;
	[dreg:$0xf] =	wrdreg s26  }
0xf: {  	s5 =	sor.u32 s2, s5;
	s2 =	ssub.s32 $0x2, s2;
	[dreg:$0x10] =	wrdreg s28  }
0x10: {  	[dreg:$0x11] =	wrdreg s29;
	s6 =	sshll.u32 s5, $0x7;
	s8 =	sshrl.u32 s2, $0x1  }
0x11: {  	[dreg:$0x12] =	wrdreg s30;
	s6 =	sor.u32 s7, s6;
	s2 =	ssub.s32 s2, s8  }
.Ltmp0:
0x12: {  	s6 =	sand.u32 $0x3B0, s6;
	s31 =	smax.u32 s2, $0x1;
	(pc) =	sbr.rel .LBB2_1-.Ltmp0, $4  }
0x13: {  	s18 =	sadd.s32 $0x500, s9;
	s0 =	sadd.s32 s0, s6;
	[dreg:$0x14] =	wrdreg s31  }
0x14: {  	v0 =	vlaneseq.u32;
	s17 =	sshll.u32 s5, $0x10;
	s15 =	sadd.s32 s1, s6;
	[dreg:$0x6] =	wrdreg s0  }
0x15: {  	v1 =	vshrl.u32 v0, $0x3;
	s19 =	sadd.s32 $0x600, s9;
	[dreg:$0x7] =	wrdreg s15;
	s0 =	sadd.s32 s3, s17  }
0x16: {  	vm0 =	vmmov $0xffff;
	v0 =	vand.u32 $0x7, v0;
	s20 =	sadd.s32 $0x700, s9;
	v1 =	vmul.u32 $0x8, v1;
	s2 =	simm.s32 $0x0;
	[dreg:$0x13] =	wrdreg s0  }
.LBB2_8:
0x17: {  	s0 =	simm.s32 $0x5  }
0x18: {  	_ =	swait.ge [sflag:s0], $0x4000  }
0x19: {  	[sflag:s0] =	ssyncset.done $0x0  }
0x1a: {  	s1 =	simm.s32 $0x6;
	[sflag:s0] =	ssyncadd.s32 $0xFFFFC000  }
0x1b: {  	_ =	swait.ge [sflag:s1], $0x4000  }
0x1c: {  	s2 =	rddreg [dreg:$0x15]  }
0x1d: {  	s31 =	rddreg [dreg:$0x14];
	s2 =	sadd.s32 $0x1, s2  }
0x1e: {  	p0 =	sne.s32 s2, s31  }
.Ltmp1:
0x1f: {  	_ = 	snop;
	(pc) =	sbr.rel @!p0 .LBB2_9-.Ltmp1, $3  }
0x20: {  	_ =	sdelay $0x1  }
0x21: {  	[sflag:s1] =	ssyncset.done $0x0  }
0x22: {  	s16 =	smov.u32 s17;
	[sflag:s1] =	ssyncadd.s32 $0xFFFFC000  }
.LBB2_1:
0x23: {  	[dreg:$0x15] =	wrdreg s2  }
0x24: {  	s0 =	rddreg [dreg:$0x6]  }
0x25: {  	s1 =	simm.s32 $0x80;
	s11 =	simm.s32 $0x200;
	s3 =	simm.s32 $0x7  }
0x26: {  	[tilespmem:s4], [sflag:$0x7] =	stream.strided.gather [hbm4b:s0+s1], $0x100, s11, s1, $0x38;
	[tilespmem:$0x18200] =	vst v63  }
0x27: {  	_ =	swait.ge [sflag:s3], $0x100  }
0x28: {  	[sflag:s3] =	ssyncset.done $0x0  }
0x29: {  	s5 =	simm.s32 $0x100;
	s12 =	rddreg [dreg:$0x7];
	[sflag:s3] =	ssyncadd.s32 $0xFFFFFF00  }
0x2a: {  	[tilespmem:s5], [sflag:$0x7] =	stream.strided.gather [hbm4b:s12+s1], $0x100, s11, s1, $0x38;
	[tilespmem:$0x18200] =	vst v63  }
0x2b: {  	_ =	swait.ge [sflag:s3], $0x100  }
0x2c: {  	[sflag:s3] =	ssyncset.done $0x0  }
0x2d: {  	[sflag:s3] =	ssyncadd.s32 $0xFFFFFF00  }
0x2e: {  	v2 =	vld [tilespmem:$0x100]  }
0x2f: {  	v3 =	vld [tilespmem:$0x110]  }
0x30: {  	v4 =	vld [tilespmem:$0x120]  }
0x31: {  	v5 =	vld [tilespmem:$0x130]  }
0x32: {  	v6 =	vld [tilespmem:$0x140]  }
0x33: {  	v7 =	vld [tilespmem:$0x150]  }
0x34: {  	v8 =	vld [tilespmem:$0x160];
	v2 =	vadd.s32 $0x2, v2  }
0x35: {  	v56 =	vld.msk [tilespmem:$0x0], $0xff;
	[tilespmem:$0x100] =	vst v2;
	v2 =	vadd.s32 $0x2, v3  }
0x36: {  	v3 =	vld [tilespmem:$0x170];
	[tilespmem:$0x110] =	vst v2;
	v2 =	vadd.s32 $0x2, v4  }
0x37: {  	v57 =	vld [tilespmem:$0x180];
	[tilespmem:$0x120] =	vst v2;
	v2 =	vadd.s32 $0x2, v5  }
0x38: {  	v58 =	vld [tilespmem:$0x190];
	[tilespmem:$0x130] =	vst v2;
	v2 =	vadd.s32 $0x2, v6  }
0x39: {  	v59 =	vld [tilespmem:$0x1A0];
	[tilespmem:$0x140] =	vst v2;
	v2 =	vadd.s32 $0x2, v7  }
0x3a: {  	v60 =	vld [tilespmem:$0x1B0];
	[tilespmem:$0x150] =	vst v2;
	v2 =	vadd.s32 $0x2, v8  }
0x3b: {  	v9 =	vshll.u32 v56, $0x4;
	[tilespmem:$0x160] =	vst v2;
	v2 =	vadd.s32 $0x2, v3;
	v3 =	vld [tilespmem:$0x1C0]  }
0x3c: {  	v61 =	vld [tilespmem:$0x1D0];
	v9 =	vand.u32 $0xFFFFFF80, v9;
	v4 =	vand.u32 $0x7, v56;
	[tilespmem:$0x170] =	vst v2;
	v2 =	vadd.s32 $0x2, v57  }
0x3d: {  	v62 =	vld [tilespmem:$0x1E0];
	v4 =	vor.u32 v4, v9;
	[tilespmem:$0x180] =	vst v2;
	v2 =	vadd.s32 $0x2, v58  }
0x3e: {  	v63 =	vld [tilespmem:$0x1F0];
	v4 =	vperm.xlane v4, v0;
	[tilespmem:$0x190] =	vst v2;
	v2 =	vadd.s32 $0x2, v59  }
0x3f: {  	[tilespmem:$0x1A0] =	vst v2;
	v2 =	vadd.s32 $0x2, v60  }
0x40: {  	[tilespmem:$0x1B0] =	vst v2;
	v2 =	vadd.s32 $0x2, v3;
	v3 =	vadd.s32 v1, v4  }
0x41: {  	[tilespmem:$0x1C0] =	vst v2;
	v2 =	vadd.s32 $0x2, v61  }
0x42: {  	[tilespmem:$0x1D0] =	vst v2;
	v2 =	vadd.s32 $0x2, v62  }
0x43: {  	[tilespmem:$0x1E0] =	vst v2;
	v2 =	vadd.s32 $0x2, v63  }
0x44: {  	[tilespmem:$0x1F0] =	vst v2  }
0x45: {  	[tilespmem:s11], [sflag:$0x1] =	stream.indirect_vreg.gather [hbm4b:s16+s4], $0x80, v3, vm0, $0xb8;
	[tilespmem:$0x18200] =	vst v63  }
0x46: {  	s13 =	simm.s32 $0xA00;
	s1 =	rddreg [dreg:$0x8]  }
0x47: {  	[tilespmem:s13], [sflag:$0x1] =	stream.indirect_vreg.gather [hbm4b:s1+s4], $0x80, v3, vm0, $0xb8;
	[tilespmem:$0x18200] =	vst v63  }
0x48: {  	s14 =	simm.s32 $0x1200;
	s2 =	rddreg [dreg:$0x9]  }
0x49: {  	[tilespmem:s14], [sflag:$0x1] =	stream.indirect_vreg.gather [hbm4b:s2+s4], $0x80, v3, vm0, $0xb8;
	[tilespmem:$0x18200] =	vst v63  }
0x4a: {  	s15 =	simm.s32 $0x1A00;
	s3 =	rddreg [dreg:$0xa]  }
0x4b: {  	[tilespmem:s15], [sflag:$0x1] =	stream.indirect_vreg.gather [hbm4b:s3+s4], $0x80, v3, vm0, $0xb8;
	[tilespmem:$0x18200] =	vst v63  }
0x4c: {  	s17 =	simm.s32 $0x2200;
	s5 =	rddreg [dreg:$0xb]  }
0x4d: {  	[tilespmem:s17], [sflag:$0x1] =	stream.indirect_vreg.gather [hbm4b:s5+s4], $0x80, v3, vm0, $0xb8;
	[tilespmem:$0x18200] =	vst v63  }
0x4e: {  	s21 =	simm.s32 $0x2A00;
	s6 =	rddreg [dreg:$0xc]  }
0x4f: {  	[tilespmem:s21], [sflag:$0x1] =	stream.indirect_vreg.gather [hbm4b:s6+s4], $0x80, v3, vm0, $0xb8;
	[tilespmem:$0x18200] =	vst v63  }
0x50: {  	s22 =	simm.s32 $0x3200;
	s7 =	rddreg [dreg:$0xd]  }
0x51: {  	[tilespmem:s22], [sflag:$0x1] =	stream.indirect_vreg.gather [hbm4b:s7+s4], $0x80, v3, vm0, $0xb8;
	[tilespmem:$0x18200] =	vst v63  }
0x52: {  	s23 =	simm.s32 $0x3A00;
	s8 =	rddreg [dreg:$0xe]  }
0x53: {  	[tilespmem:s23], [sflag:$0x1] =	stream.indirect_vreg.gather [hbm4b:s8+s4], $0x80, v3, vm0, $0xb8;
	[tilespmem:$0x18200] =	vst v63  }
0x54: {  	v2 =	vld.msk [tilespmem:$0x100], $0xff;
	_ =	sdelay $0x4  }
0x55: {  	v3 =	vshll.u32 v2, $0x4  }
0x56: {  	v2 =	vand.u32 $0x7, v2;
	v3 =	vand.u32 $0xFFFFFF80, v3  }
0x57: {  	v2 =	vor.u32 v2, v3  }
0x58: {  	v2 =	vperm.xlane v2, v0;
	_ =	sdelay $0x1  }
0x59: {  	v2 =	vadd.s32 v1, v2;
	_ =	sdelay $0x3  }
0x5a: {  	s9 =	simm.s32 $0x8200;
	s24 =	rddreg [dreg:$0x3]  }
0x5b: {  	[tilespmem:s9], [sflag:$0x3] =	stream.indirect_vreg.gather [hbm4b:s24+s4], $0x80, v2, vm0, $0xb8;
	[tilespmem:$0x18200] =	vst v63  }
0x5c: {  	s10 =	simm.s32 $0x8A00;
	s25 =	rddreg [dreg:$0xf]  }
0x5d: {  	[tilespmem:s10], [sflag:$0x3] =	stream.indirect_vreg.gather [hbm4b:s25+s4], $0x80, v2, vm0, $0xb8;
	[tilespmem:$0x18200] =	vst v63  }
0x5e: {  	s11 =	simm.s32 $0x9200;
	s10 =	rddreg [dreg:$0x10]  }
0x5f: {  	[tilespmem:s11], [sflag:$0x3] =	stream.indirect_vreg.gather [hbm4b:s10+s4], $0x80, v2, vm0, $0xb8;
	[tilespmem:$0x18200] =	vst v63  }
0x60: {  	s12 =	simm.s32 $0x9A00;
	s11 =	rddreg [dreg:$0x11]  }
0x61: {  	[tilespmem:s12], [sflag:$0x3] =	stream.indirect_vreg.gather [hbm4b:s11+s4], $0x80, v2, vm0, $0xb8;
	[tilespmem:$0x18200] =	vst v63  }
0x62: {  	s13 =	simm.s32 $0xA200;
	s12 =	rddreg [dreg:$0x12]  }
0x63: {  	[tilespmem:s13], [sflag:$0x3] =	stream.indirect_vreg.gather [hbm4b:s12+s4], $0x80, v2, vm0, $0xb8;
	[tilespmem:$0x18200] =	vst v63  }
0x64: {  	s26 =	simm.s32 $0xAA00  }
0x65: {  	[tilespmem:s26], [sflag:$0x3] =	stream.indirect_vreg.gather [hbm4b:s18+s4], $0x80, v2, vm0, $0xb8;
	[tilespmem:$0x18200] =	vst v63  }
0x66: {  	s28 =	simm.s32 $0xB200  }
0x67: {  	[tilespmem:s28], [sflag:$0x3] =	stream.indirect_vreg.gather [hbm4b:s19+s4], $0x80, v2, vm0, $0xb8;
	[tilespmem:$0x18200] =	vst v63  }
0x68: {  	s29 =	simm.s32 $0xBA00  }
0x69: {  	[tilespmem:s29], [sflag:$0x3] =	stream.indirect_vreg.gather [hbm4b:s20+s4], $0x80, v2, vm0, $0xb8;
	[tilespmem:$0x18200] =	vst v63  }
0x6a: {  	v2 =	vld.msk [tilespmem:$0x8], $0xff;
	_ =	sdelay $0x4  }
0x6b: {  	v3 =	vshll.u32 v2, $0x4  }
0x6c: {  	v2 =	vand.u32 $0x7, v2;
	v3 =	vand.u32 $0xFFFFFF80, v3  }
0x6d: {  	v2 =	vor.u32 v2, v3  }
0x6e: {  	v2 =	vperm.xlane v2, v0;
	_ =	sdelay $0x1  }
0x6f: {  	v2 =	vadd.s32 v1, v2;
	_ =	sdelay $0x3  }
0x70: {  	s30 =	simm.s32 $0x4200  }
0x71: {  	[tilespmem:s30], [sflag:$0x2] =	stream.indirect_vreg.gather [hbm4b:s16+s4], $0x80, v2, vm0, $0xb8;
	[tilespmem:$0x18200] =	vst v63  }
0x72: {  	s31 =	simm.s32 $0x4A00  }
0x73: {  	[tilespmem:s31], [sflag:$0x2] =	stream.indirect_vreg.gather [hbm4b:s1+s4], $0x80, v2, vm0, $0xb8;
	[tilespmem:$0x18200] =	vst v63  }
0x74: {  	s13 =	simm.s32 $0x5200  }
0x75: {  	[tilespmem:s13], [sflag:$0x2] =	stream.indirect_vreg.gather [hbm4b:s2+s4], $0x80, v2, vm0, $0xb8;
	[tilespmem:$0x18200] =	vst v63  }
0x76: {  	s14 =	simm.s32 $0x5A00  }
0x77: {  	[tilespmem:s14], [sflag:$0x2] =	stream.indirect_vreg.gather [hbm4b:s3+s4], $0x80, v2, vm0, $0xb8;
	[tilespmem:$0x18200] =	vst v63  }
0x78: {  	s15 =	simm.s32 $0x6200  }
0x79: {  	[tilespmem:s15], [sflag:$0x2] =	stream.indirect_vreg.gather [hbm4b:s5+s4], $0x80, v2, vm0, $0xb8;
	[tilespmem:$0x18200] =	vst v63  }
0x7a: {  	s17 =	simm.s32 $0x6A00  }
0x7b: {  	[tilespmem:s17], [sflag:$0x2] =	stream.indirect_vreg.gather [hbm4b:s6+s4], $0x80, v2, vm0, $0xb8;
	[tilespmem:$0x18200] =	vst v63  }
0x7c: {  	s21 =	simm.s32 $0x7200  }
0x7d: {  	[tilespmem:s21], [sflag:$0x2] =	stream.indirect_vreg.gather [hbm4b:s7+s4], $0x80, v2, vm0, $0xb8;
	[tilespmem:$0x18200] =	vst v63  }
0x7e: {  	s22 =	simm.s32 $0x7A00  }
0x7f: {  	[tilespmem:s22], [sflag:$0x2] =	stream.indirect_vreg.gather [hbm4b:s8+s4], $0x80, v2, vm0, $0xb8;
	[tilespmem:$0x18200] =	vst v63  }
0x80: {  	v2 =	vld.msk [tilespmem:$0x108], $0xff;
	_ =	sdelay $0x4  }
0x81: {  	v3 =	vshll.u32 v2, $0x4  }
0x82: {  	v2 =	vand.u32 $0x7, v2;
	v3 =	vand.u32 $0xFFFFFF80, v3  }
0x83: {  	v2 =	vor.u32 v2, v3  }
0x84: {  	v2 =	vperm.xlane v2, v0;
	_ =	sdelay $0x1  }
0x85: {  	v2 =	vadd.s32 v1, v2;
	_ =	sdelay $0x3  }
0x86: {  	s23 =	simm.s32 $0xC200  }
0x87: {  	[tilespmem:s23], [sflag:$0x4] =	stream.indirect_vreg.gather [hbm4b:s24+s4], $0x80, v2, vm0, $0xb8;
	[tilespmem:$0x18200] =	vst v63  }
0x88: {  	s24 =	simm.s32 $0xCA00  }
0x89: {  	[tilespmem:s24], [sflag:$0x4] =	stream.indirect_vreg.gather [hbm4b:s25+s4], $0x80, v2, vm0, $0xb8;
	[tilespmem:$0x18200] =	vst v63  }
0x8a: {  	s25 =	simm.s32 $0xD200  }
0x8b: {  	[tilespmem:s25], [sflag:$0x4] =	stream.indirect_vreg.gather [hbm4b:s10+s4], $0x80, v2, vm0, $0xb8;
	[tilespmem:$0x18200] =	vst v63  }
0x8c: {  	s26 =	simm.s32 $0xDA00  }
0x8d: {  	[tilespmem:s26], [sflag:$0x4] =	stream.indirect_vreg.gather [hbm4b:s11+s4], $0x80, v2, vm0, $0xb8;
	[tilespmem:$0x18200] =	vst v63  }
0x8e: {  	s28 =	simm.s32 $0xE200  }
0x8f: {  	[tilespmem:s28], [sflag:$0x4] =	stream.indirect_vreg.gather [hbm4b:s12+s4], $0x80, v2, vm0, $0xb8;
	[tilespmem:$0x18200] =	vst v63  }
0x90: {  	s29 =	simm.s32 $0xEA00  }
0x91: {  	[tilespmem:s29], [sflag:$0x4] =	stream.indirect_vreg.gather [hbm4b:s18+s4], $0x80, v2, vm0, $0xb8;
	[tilespmem:$0x18200] =	vst v63  }
0x92: {  	s30 =	simm.s32 $0xF200  }
0x93: {  	[tilespmem:s30], [sflag:$0x4] =	stream.indirect_vreg.gather [hbm4b:s19+s4], $0x80, v2, vm0, $0xb8;
	[tilespmem:$0x18200] =	vst v63  }
0x94: {  	s31 =	simm.s32 $0xFA00;
	s6 =	simm.s32 $0x0  }
0x95: {  	[tilespmem:s31], [sflag:$0x4] =	stream.indirect_vreg.gather [hbm4b:s20+s4], $0x80, v2, vm0, $0xb8;
	[tilespmem:$0x18200] =	vst v63  }
.LBB2_2:
0x96: {  	s0 =	simm.s32 $0x1  }
0x97: {  	_ =	swait.ge [sflag:s0], $0x4000  }
0x98: {  	[sflag:s0] =	ssyncset.done $0x0  }
0x99: {  	s23 =	simm.s32 $0x3;
	[sflag:s0] =	ssyncadd.s32 $0xFFFFC000  }
0x9a: {  	_ =	swait.ge [sflag:s23], $0x4000  }
0x9b: {  	p0 =	seq.s32 s6, $0x0;
	[sflag:s23] =	ssyncset.done $0x0  }
0x9c: {  	s0 =	simm.s32 @!p0 $0x5;
	[sflag:s23] =	ssyncadd.s32 $0xFFFFC000  }
0x9d: {  	s1 =	simm.s32 $0x0;
	_ =	swait.ge @!p0 [sflag:s0], $0x4000  }
0x9e: {  	s2 =	sand.u32 $0x40, s1;
	s1 =	sand.u32 $0x3C00, s1;
	[sflag:s0] =	ssyncset.done @!p0 $0x0  }
0x9f: {  	s2 =	sor.u32 s2, s1;
	[sflag:s0] =	ssyncadd.s32 @!p0 $0xFFFFC000  }
0xa0: {  	v2 =	vld [tilespmem:s2+$0x230]  }
0xa1: {  	v3 =	vld [tilespmem:s2+$0x8230]  }
0xa2: {  	v4 =	vld [tilespmem:s2+$0x2B0]  }
0xa3: {  	v5 =	vld [tilespmem:s2+$0x82B0]  }
0xa4: {  	v6 =	vld [tilespmem:s2+$0x330]  }
0xa5: {  	v7 =	vld [tilespmem:s2+$0x8330]  }
0xa6: {  	v8 =	vld [tilespmem:s2+$0x3B0]  }
0xa7: {  	v9 =	vld [tilespmem:s2+$0x83B0]  }
0xa8: {  	v10 =	vld [tilespmem:s2+$0x200]  }
0xa9: {  	v11 =	vld [tilespmem:s2+$0x8200]  }
0xaa: {  	v12 =	vld [tilespmem:s2+$0x210]  }
0xab: {  	v13 =	vld [tilespmem:s2+$0x8210]  }
0xac: {  	v14 =	vld [tilespmem:s2+$0x290]  }
0xad: {  	v15 =	vld [tilespmem:s2+$0x8290]  }
0xae: {  	v16 =	vld [tilespmem:s2+$0x310]  }
0xaf: {  	v17 =	vld [tilespmem:s2+$0x8310]  }
0xb0: {  	v18 =	vld [tilespmem:s2+$0x390]  }
0xb1: {  	p1 =	por $0x0, $0x0;
	s0 =	simm.s32 $0x1;
	v2 =	vadd.f32 v3, v2;
	v3 =	vld [tilespmem:s2+$0x280]  }
0xb2: {  	s0 =	simm.s32 @!p1 $0x0;
	v4 =	vadd.f32 v5, v4;
	v5 =	vld [tilespmem:s2+$0x8280]  }
0xb3: {  	s0 =	sshll.u32 s0, $0x6;
	[tilespmem:s2+$0x10230] =	vst v2;
	v2 =	vadd.f32 v7, v6;
	v6 =	vld [tilespmem:s2+$0x300]  }
0xb4: {  	s1 =	sadd.s32 $0x0, s0;
	[tilespmem:s2+$0x102B0] =	vst v4;
	v4 =	vadd.f32 v9, v8;
	v7 =	vld [tilespmem:s2+$0x8300]  }
0xb5: {  	s5 =	sadd.s32 $0x30, s1;
	v9 =	vld [tilespmem:s2+$0x8380];
	[tilespmem:s2+$0x10330] =	vst v2  }
0xb6: {  	s24 =	sor.u32 $0x200, s5;
	v2 =	vld [tilespmem:s2+$0x380];
	[tilespmem:s2+$0x103B0] =	vst v4  }
0xb7: {  	v4 =	vld [tilespmem:s24+$0x200]  }
0xb8: {  	v8 =	vld [tilespmem:s24+$0x8200]  }
0xb9: {  	v19 =	vld [tilespmem:s2+$0x8390];
	v10 =	vadd.f32 v11, v10  }
0xba: {  	v11 =	vld [tilespmem:s2+$0x220];
	v3 =	vadd.f32 v5, v3  }
0xbb: {  	[tilespmem:s2+$0x10200] =	vst v10;
	v10 =	vld [tilespmem:s2+$0x83A0];
	v6 =	vadd.f32 v7, v6  }
0xbc: {  	v7 =	vld [tilespmem:s2+$0x2A0];
	[tilespmem:s2+$0x10280] =	vst v3;
	v2 =	vadd.f32 v9, v2  }
0xbd: {  	[tilespmem:s2+$0x10300] =	vst v6;
	v3 =	vadd.f32 v8, v4;
	v4 =	vld [tilespmem:s2+$0x82A0]  }
0xbe: {  	v5 =	vld [tilespmem:s2+$0x8220];
	[tilespmem:s2+$0x10380] =	vst v2;
	v2 =	vadd.f32 v15, v14  }
0xbf: {  	v6 =	vld [tilespmem:s2+$0x320];
	[tilespmem:s24+$0x10200] =	vst v3;
	v3 =	vadd.f32 v13, v12  }
0xc0: {  	v8 =	vld [tilespmem:s2+$0x8320];
	[tilespmem:s2+$0x10290] =	vst v2;
	v2 =	vadd.f32 v19, v18  }
0xc1: {  	s7 =	sor.u32 $0x280, s5;
	v9 =	vld [tilespmem:s2+$0x3A0];
	[tilespmem:s2+$0x10210] =	vst v3;
	v3 =	vadd.f32 v17, v16  }
0xc2: {  	v30 =	vld [tilespmem:s7+$0x200];
	[tilespmem:s2+$0x10390] =	vst v2;
	v2 =	vadd.f32 v4, v7  }
0xc3: {  	s8 =	sor.u32 $0x200, s1;
	[tilespmem:s2+$0x10310] =	vst v3;
	v3 =	vadd.f32 v5, v11;
	v5 =	vld [tilespmem:s7+$0x8200]  }
0xc4: {  	s0 =	sadd.s32 $0x10, s1;
	[tilespmem:s2+$0x102A0] =	vst v2;
	v2 =	vld [tilespmem:s8+$0x8200]  }
0xc5: {  	s9 =	sor.u32 $0x200, s0;
	v4 =	vadd.f32 v8, v6;
	[tilespmem:s2+$0x10220] =	vst v3;
	v3 =	vld [tilespmem:s8+$0x200]  }
0xc6: {  	v6 =	vadd.f32 v10, v9;
	v7 =	vld [tilespmem:s9+$0x200]  }
0xc7: {  	s3 =	sadd.s32 $0x20, s1;
	[tilespmem:s2+$0x10320] =	vst v4;
	v4 =	vld [tilespmem:s9+$0x8200]  }
0xc8: {  	s10 =	sor.u32 $0x200, s3;
	[tilespmem:s2+$0x103A0] =	vst v6;
	v5 =	vadd.f32 v5, v30  }
0xc9: {  	v6 =	vld [tilespmem:s10+$0x200]  }
0xca: {  	s25 =	sor.u32 $0x300, s5;
	v8 =	vld [tilespmem:s10+$0x8200];
	[tilespmem:s7+$0x10200] =	vst v5;
	v2 =	vadd.f32 v2, v3  }
0xcb: {  	v3 =	vld [tilespmem:s25+$0x200]  }
0xcc: {  	s11 =	sor.u32 $0x280, s1;
	v5 =	vld [tilespmem:s25+$0x8200];
	[tilespmem:s8+$0x10200] =	vst v2;
	v2 =	vadd.f32 v4, v7  }
0xcd: {  	v4 =	vld [tilespmem:s11+$0x200]  }
0xce: {  	s26 =	sor.u32 $0x280, s0;
	v7 =	vld [tilespmem:s11+$0x8200];
	[tilespmem:s9+$0x10200] =	vst v2  }
0xcf: {  	v2 =	vadd.f32 v8, v6;
	v6 =	vld [tilespmem:s26+$0x200]  }
0xd0: {  	v8 =	vld [tilespmem:s26+$0x8200]  }
0xd1: {  	s28 =	sor.u32 $0x280, s3;
	[tilespmem:s10+$0x10200] =	vst v2;
	v2 =	vadd.f32 v5, v3  }
0xd2: {  	v5 =	vld [tilespmem:s28+$0x200]  }
0xd3: {  	s5 =	sor.u32 $0x380, s5;
	v9 =	vld [tilespmem:s28+$0x8200];
	[tilespmem:s25+$0x10200] =	vst v2;
	v4 =	vadd.f32 v7, v4  }
0xd4: {  	v2 =	vld [tilespmem:s5+$0x200]  }
0xd5: {  	s2 =	sor.u32 $0x300, s1;
	v3 =	vld [tilespmem:s5+$0x8200];
	[tilespmem:s11+$0x10200] =	vst v4;
	v4 =	vadd.f32 v8, v6  }
0xd6: {  	v6 =	vld [tilespmem:s2+$0x200]  }
0xd7: {  	s22 =	sor.u32 $0x300, s0;
	s24 =	simm.s32 $0x200;
	s25 =	simm.s32 $0x40;
	v7 =	vld [tilespmem:s2+$0x8200];
	[tilespmem:s26+$0x10200] =	vst v4  }
0xd8: {  	s8 =	sand.u32 $0x3C00, s24;
	s10 =	sand.u32 $0x40, s25;
	v4 =	vadd.f32 v9, v5;
	v5 =	vld [tilespmem:s22+$0x200]  }
0xd9: {  	s26 =	sor.u32 s10, s8;
	v8 =	vld [tilespmem:s22+$0x8200]  }
0xda: {  	v9 =	vld [tilespmem:s26+$0x230]  }
0xdb: {  	v10 =	vld [tilespmem:s26+$0x8230]  }
0xdc: {  	v11 =	vld [tilespmem:s26+$0x2B0]  }
0xdd: {  	v31 =	vld [tilespmem:s26+$0x82B0]  }
0xde: {  	v32 =	vld [tilespmem:s26+$0x330]  }
0xdf: {  	v33 =	vld [tilespmem:s26+$0x8330]  }
0xe0: {  	v34 =	vld [tilespmem:s26+$0x3B0]  }
0xe1: {  	v35 =	vld [tilespmem:s26+$0x83B0]  }
0xe2: {  	v36 =	vld [tilespmem:s26+$0x200]  }
0xe3: {  	v37 =	vld [tilespmem:s26+$0x8200]  }
0xe4: {  	p1 =	por !p1, !p1;
	s8 =	simm.s32 $0x1;
	v38 =	vld [tilespmem:s26+$0x8280];
	v9 =	vadd.f32 v10, v9  }
0xe5: {  	s8 =	simm.s32 @!p1 $0x0;
	v39 =	vld [tilespmem:s26+$0x300];
	[tilespmem:s28+$0x10200] =	vst v4;
	v11 =	vadd.f32 v31, v11  }
0xe6: {  	v40 =	vld [tilespmem:s26+$0x8300];
	s8 =	sshll.u32 s8, $0x6;
	[tilespmem:s26+$0x10230] =	vst v9;
	v9 =	vadd.f32 v33, v32  }
0xe7: {  	v42 =	vld [tilespmem:s26+$0x8380];
	s8 =	sadd.s32 $0x200, s8;
	[tilespmem:s26+$0x102B0] =	vst v11;
	v11 =	vadd.f32 v35, v34  }
0xe8: {  	v43 =	vld [tilespmem:s26+$0x210];
	s28 =	sadd.s32 $0x30, s8;
	[tilespmem:s26+$0x10330] =	vst v9  }
0xe9: {  	v20 =	vld [tilespmem:s26+$0x8210];
	s13 =	sor.u32 $0x200, s28;
	[tilespmem:s26+$0x103B0] =	vst v11  }
0xea: {  	v11 =	vld [tilespmem:s13+$0x200]  }
0xeb: {  	v41 =	vld [tilespmem:s13+$0x8200]  }
0xec: {  	v21 =	vld [tilespmem:s26+$0x290]  }
0xed: {  	v22 =	vld [tilespmem:s26+$0x8290]  }
0xee: {  	v44 =	vld [tilespmem:s26+$0x310]  }
0xef: {  	v23 =	vld [tilespmem:s26+$0x8310]  }
0xf0: {  	v25 =	vld [tilespmem:s26+$0x390];
	v11 =	vadd.f32 v41, v11  }
0xf1: {  	v26 =	vld [tilespmem:s26+$0x8390]  }
0xf2: {  	v27 =	vld [tilespmem:s26+$0x220];
	s14 =	sor.u32 $0x280, s28;
	[tilespmem:s13+$0x10200] =	vst v11  }
0xf3: {  	v11 =	vld [tilespmem:s14+$0x200]  }
0xf4: {  	v24 =	vld [tilespmem:s14+$0x8200]  }
0xf5: {  	v10 =	vld [tilespmem:s26+$0x280]  }
0xf6: {  	v45 =	vld [tilespmem:s26+$0x8220];
	v6 =	vadd.f32 v7, v6  }
0xf7: {  	v17 =	vadd.f32 v37, v36;
	v9 =	vld [tilespmem:s26+$0x380]  }
0xf8: {  	v46 =	vld [tilespmem:s26+$0x2A0];
	v13 =	vadd.f32 v40, v39;
	[tilespmem:s2+$0x10200] =	vst v6  }
0xf9: {  	v47 =	vld [tilespmem:s26+$0x82A0];
	[tilespmem:s26+$0x10200] =	vst v17;
	v11 =	vadd.f32 v24, v11  }
0xfa: {  	v50 =	vld [tilespmem:s26+$0x8320];
	[tilespmem:s26+$0x10300] =	vst v13;
	v10 =	vadd.f32 v38, v10  }
0xfb: {  	v52 =	vld [tilespmem:s26+$0x3A0];
	s12 =	sor.u32 $0x300, s28;
	v48 =	vadd.f32 v20, v43;
	[tilespmem:s14+$0x10200] =	vst v11  }
0xfc: {  	[tilespmem:s26+$0x10280] =	vst v10;
	v9 =	vadd.f32 v42, v9;
	v10 =	vld [tilespmem:s12+$0x200]  }
0xfd: {  	v51 =	vadd.f32 v23, v44;
	[tilespmem:s26+$0x10210] =	vst v48;
	v49 =	vld [tilespmem:s12+$0x8200]  }
0xfe: {  	s23 =	sor.u32 $0x300, s3;
	v53 =	vld [tilespmem:s26+$0x83A0];
	[tilespmem:s26+$0x10380] =	vst v9;
	v9 =	vadd.f32 v22, v21  }
0xff: {  	v4 =	vld [tilespmem:s23+$0x200];
	v54 =	vadd.f32 v45, v27;
	[tilespmem:s26+$0x10310] =	vst v51  }
0x100: {  	s13 =	sor.u32 $0x200, s8;
	[tilespmem:s26+$0x10290] =	vst v9;
	v9 =	vadd.f32 v26, v25;
	v11 =	vld [tilespmem:s26+$0x320]  }
0x101: {  	s15 =	sadd.s32 $0x10, s8;
	v12 =	vadd.f32 v47, v46;
	[tilespmem:s26+$0x10220] =	vst v54;
	v55 =	vld [tilespmem:s13+$0x200]  }
0x102: {  	[tilespmem:s26+$0x10390] =	vst v9;
	s14 =	sor.u32 $0x200, s15;
	v9 =	vadd.f32 v49, v10;
	v10 =	vld [tilespmem:s13+$0x8200]  }
0x103: {  	v57 =	vadd.f32 v53, v52;
	[tilespmem:s26+$0x102A0] =	vst v12;
	v56 =	vld [tilespmem:s14+$0x200]  }
0x104: {  	v5 =	vadd.f32 v8, v5;
	[tilespmem:s12+$0x10200] =	vst v9;
	v9 =	vld [tilespmem:s14+$0x8200]  }
0x105: {  	v59 =	vld [tilespmem:s23+$0x8200];
	s11 =	sor.u32 $0x380, s28;
	s28 =	sor.u32 $0x380, s1;
	[tilespmem:s26+$0x103A0] =	vst v57;
	v11 =	vadd.f32 v50, v11  }
0x106: {  	s24 =	sor.u32 $0x380, s0;
	s17 =	sadd.s32 $0x20, s8;
	v62 =	vld [tilespmem:s28+$0x8200];
	[tilespmem:s22+$0x10200] =	vst v5  }
0x107: {  	s21 =	sor.u32 $0x200, s17;
	v5 =	vld [tilespmem:s24+$0x200];
	[tilespmem:s26+$0x10320] =	vst v11;
	v10 =	vadd.f32 v10, v55  }
0x108: {  	v60 =	vld [tilespmem:s21+$0x200]  }
0x109: {  	s25 =	sor.u32 $0x280, s8;
	[tilespmem:s13+$0x10200] =	vst v10;
	v9 =	vadd.f32 v9, v56;
	v10 =	vld [tilespmem:s21+$0x8200]  }
0x10a: {  	v61 =	vld [tilespmem:s25+$0x200]  }
0x10b: {  	s26 =	sor.u32 $0x280, s15;
	v7 =	vld [tilespmem:s25+$0x8200];
	[tilespmem:s14+$0x10200] =	vst v9  }
0x10c: {  	v9 =	vld [tilespmem:s26+$0x200]  }
0x10d: {  	v6 =	vld [tilespmem:s26+$0x8200]  }
0x10e: {  	v58 =	vld [tilespmem:s11+$0x200];
	v8 =	vadd.f32 v10, v60  }
0x10f: {  	v11 =	vld [tilespmem:s11+$0x8200]  }
0x110: {  	s2 =	sor.u32 $0x280, s17;
	v10 =	vld [tilespmem:s28+$0x200];
	v7 =	vadd.f32 v7, v61;
	[tilespmem:s21+$0x10200] =	vst v8  }
0x111: {  	v3 =	vadd.f32 v3, v2;
	v63 =	vld [tilespmem:s2+$0x200]  }
0x112: {  	s0 =	sor.u32 $0x300, s8;
	[tilespmem:s25+$0x10200] =	vst v7;
	v6 =	vadd.f32 v6, v9;
	v7 =	vld [tilespmem:s2+$0x8200]  }
0x113: {  	[tilespmem:s5+$0x10200] =	vst v3;
	v4 =	vadd.f32 v59, v4;
	v2 =	vld [tilespmem:s0+$0x200]  }
0x114: {  	v8 =	vadd.f32 v11, v58;
	s21 =	sor.u32 $0x300, s15;
	[tilespmem:s26+$0x10200] =	vst v6;
	v6 =	vld [tilespmem:s0+$0x8200]  }
0x115: {  	[tilespmem:s23+$0x10200] =	vst v4;
	v9 =	vadd.f32 v62, v10;
	v3 =	vld [tilespmem:s21+$0x200]  }
0x116: {  	s31 =	simm.s32 $0x4;
	s29 =	sor.u32 $0x380, s8;
	s5 =	simm.s32 $0x80;
	[tilespmem:s11+$0x10200] =	vst v8;
	v8 =	vld [tilespmem:s21+$0x8200]  }
0x117: {  	s30 =	sor.u32 $0x300, s17;
	s1 =	sor.u32 $0x380, s17;
	v4 =	vld [tilespmem:s24+$0x8200];
	s25 =	sor.u32 $0x380, s3;
	[tilespmem:s28+$0x10200] =	vst v9;
	v9 =	vadd.f32 v7, v63  }
0x118: {  	s22 =	sshll.u32 s6, $0x4;
	s3 =	sor.u32 $0x380, s15;
	s26 =	simm.s32 $0x400;
	v7 =	vld [tilespmem:s25+$0x200]  }
.LBB2_3:
0x119: {  	s7 =	sand.u32 $0x40, s5;
	s8 =	sand.u32 $0x3C00, s26;
	v6 =	vadd.f32 v6, v2;
	[tilespmem:s2+$0x10200] =	vst v9;
	v9 =	vld [tilespmem:s25+$0x8200]  }
0x11a: {  	s28 =	sor.u32 s7, s8;
	v2 =	vld [tilespmem:s30+$0x200]  }
0x11b: {  	v10 =	vld [tilespmem:s28+$0x230];
	[tilespmem:s0+$0x10200] =	vst v6;
	v3 =	vadd.f32 v8, v3  }
0x11c: {  	v6 =	vld [tilespmem:s28+$0x8230];
	v4 =	vadd.f32 v4, v5  }
0x11d: {  	v5 =	vld [tilespmem:s28+$0x2B0];
	[tilespmem:s21+$0x10200] =	vst v3  }
0x11e: {  	v3 =	vld [tilespmem:s28+$0x82B0];
	[tilespmem:s24+$0x10200] =	vst v4;
	v4 =	vadd.f32 v9, v7;
	s24 =	smov.u32 s3  }
0x11f: {  	v7 =	vld [tilespmem:s28+$0x330]  }
0x120: {  	v8 =	vld [tilespmem:s28+$0x8330];
	[tilespmem:s25+$0x10200] =	vst v4;
	s25 =	smov.u32 s1  }
0x121: {  	v4 =	vld [tilespmem:s28+$0x3B0]  }
0x122: {  	v9 =	vld [tilespmem:s28+$0x83B0]  }
0x123: {  	v11 =	vld [tilespmem:s28+$0x200]  }
0x124: {  	s31 =	sadd.s32 $0x4, s31;
	p1 =	por !p1, !p1;
	s0 =	simm.s32 $0x1;
	v6 =	vadd.f32 v6, v10;
	v12 =	vld [tilespmem:s28+$0x8200]  }
0x125: {  	p2 =	slt.u32 s31, $0x7C;
	s0 =	simm.s32 @!p1 $0x0;
	v3 =	vadd.f32 v3, v5;
	v10 =	vld [tilespmem:s28+$0x280]  }
0x126: {  	s0 =	sshll.u32 s0, $0x6;
	v5 =	vld [tilespmem:s28+$0x8280];
	[tilespmem:s28+$0x10230] =	vst v6;
	v6 =	vadd.f32 v8, v7  }
0x127: {  	s8 =	sadd.s32 s0, s26;
	v7 =	vld [tilespmem:s28+$0x300];
	[tilespmem:s28+$0x102B0] =	vst v3;
	v3 =	vadd.f32 v9, v4  }
0x128: {  	s14 =	sadd.s32 $0x20, s8;
	s13 =	sadd.s32 $0x30, s8;
	s1 =	sadd.s32 $0x10, s8;
	v4 =	vld [tilespmem:s28+$0x8300];
	[tilespmem:s28+$0x10330] =	vst v6  }
0x129: {  	s7 =	sor.u32 $0x200, s14;
	s15 =	sor.u32 $0x200, s13;
	s10 =	sor.u32 $0x200, s1;
	v6 =	vadd.f32 v12, v11;
	v8 =	vld [tilespmem:s28+$0x380];
	[tilespmem:s28+$0x103B0] =	vst v3  }
0x12a: {  	s12 =	sor.u32 $0x200, s8;
	s2 =	sor.u32 $0x280, s14;
	s23 =	sor.u32 $0x280, s1;
	v3 =	vld [tilespmem:s15+$0x200]  }
0x12b: {  	s9 =	sor.u32 $0x280, s8;
	s11 =	sor.u32 $0x300, s14;
	s21 =	sor.u32 $0x300, s1;
	[tilespmem:s28+$0x10200] =	vst v6;
	v5 =	vadd.f32 v5, v10;
	v6 =	vld [tilespmem:s15+$0x8200]  }
0x12c: {  	s0 =	sor.u32 $0x300, s8;
	s3 =	sor.u32 $0x380, s1;
	s1 =	sor.u32 $0x380, s14;
	v9 =	vld [tilespmem:s28+$0x8380]  }
0x12d: {  	s8 =	sor.u32 $0x380, s8;
	[tilespmem:s28+$0x10280] =	vst v5;
	v4 =	vadd.f32 v4, v7;
	v5 =	vld [tilespmem:s28+$0x210]  }
0x12e: {  	v7 =	vld [tilespmem:s28+$0x8210]  }
0x12f: {  	[tilespmem:s28+$0x10300] =	vst v4;
	v4 =	vld [tilespmem:s28+$0x290]  }
0x130: {  	v10 =	vld [tilespmem:s28+$0x8290];
	v3 =	vadd.f32 v6, v3  }
0x131: {  	v6 =	vadd.f32 v9, v8;
	v8 =	vld [tilespmem:s28+$0x310]  }
0x132: {  	s14 =	sor.u32 $0x280, s13;
	v9 =	vld [tilespmem:s28+$0x8310];
	[tilespmem:s15+$0x10200] =	vst v3  }
0x133: {  	[tilespmem:s28+$0x10380] =	vst v6;
	v3 =	vadd.f32 v7, v5;
	v5 =	vld [tilespmem:s14+$0x200]  }
0x134: {  	v6 =	vld [tilespmem:s14+$0x8200]  }
0x135: {  	[tilespmem:s28+$0x10210] =	vst v3;
	v3 =	vadd.f32 v10, v4;
	v4 =	vld [tilespmem:s28+$0x390]  }
0x136: {  	v7 =	vld [tilespmem:s28+$0x8390]  }
0x137: {  	[tilespmem:s28+$0x10290] =	vst v3;
	v3 =	vadd.f32 v9, v8;
	v8 =	vld [tilespmem:s28+$0x220]  }
0x138: {  	v9 =	vld [tilespmem:s28+$0x8220]  }
0x139: {  	[tilespmem:s28+$0x10310] =	vst v3;
	v3 =	vld [tilespmem:s28+$0x2A0];
	v5 =	vadd.f32 v6, v5  }
0x13a: {  	v6 =	vld [tilespmem:s28+$0x82A0]  }
0x13b: {  	v4 =	vadd.f32 v7, v4;
	v7 =	vld [tilespmem:s28+$0x320];
	[tilespmem:s14+$0x10200] =	vst v5;
	s14 =	sor.u32 $0x300, s13  }
0x13c: {  	v5 =	vld [tilespmem:s14+$0x200]  }
0x13d: {  	[tilespmem:s28+$0x10390] =	vst v4;
	v4 =	vadd.f32 v9, v8;
	v8 =	vld [tilespmem:s14+$0x8200]  }
0x13e: {  	v9 =	vld [tilespmem:s28+$0x8320]  }
0x13f: {  	[tilespmem:s28+$0x10220] =	vst v4;
	v3 =	vadd.f32 v6, v3;
	v4 =	vld [tilespmem:s28+$0x3A0]  }
0x140: {  	v6 =	vld [tilespmem:s28+$0x83A0]  }
0x141: {  	v10 =	vld [tilespmem:s12+$0x200];
	[tilespmem:s28+$0x102A0] =	vst v3  }
0x142: {  	v3 =	vld [tilespmem:s12+$0x8200];
	v5 =	vadd.f32 v8, v5  }
0x143: {  	v8 =	vld [tilespmem:s10+$0x200];
	v7 =	vadd.f32 v9, v7  }
0x144: {  	s13 =	sor.u32 $0x380, s13;
	v9 =	vld [tilespmem:s10+$0x8200];
	[tilespmem:s14+$0x10200] =	vst v5  }
0x145: {  	[tilespmem:s28+$0x10320] =	vst v7;
	v4 =	vadd.f32 v6, v4;
	v5 =	vld [tilespmem:s13+$0x200]  }
0x146: {  	v6 =	vld [tilespmem:s13+$0x8200]  }
0x147: {  	v3 =	vadd.f32 v3, v10;
	[tilespmem:s28+$0x103A0] =	vst v4;
	v4 =	vld [tilespmem:s30+$0x8200]  }
0x148: {  	v7 =	vld [tilespmem:s7+$0x200]  }
0x149: {  	[tilespmem:s12+$0x10200] =	vst v3;
	v3 =	vadd.f32 v9, v8;
	v8 =	vld [tilespmem:s7+$0x8200]  }
0x14a: {  	v9 =	vld [tilespmem:s9+$0x200]  }
0x14b: {  	v10 =	vld [tilespmem:s9+$0x8200];
	[tilespmem:s10+$0x10200] =	vst v3;
	v3 =	vadd.f32 v6, v5  }
0x14c: {  	v6 =	vld [tilespmem:s23+$0x200];
	v2 =	vadd.f32 v4, v2  }
0x14d: {  	v4 =	vld [tilespmem:s23+$0x8200];
	[tilespmem:s13+$0x10200] =	vst v3  }
0x14e: {  	v3 =	vadd.f32 v8, v7;
	v7 =	vld [tilespmem:s29+$0x200];
	[tilespmem:s30+$0x10200] =	vst v2;
	s30 =	smov.u32 s11  }
0x14f: {  	v8 =	vld [tilespmem:s29+$0x8200]  }
0x150: {  	v2 =	vadd.f32 v10, v9;
	[tilespmem:s7+$0x10200] =	vst v3;
	v5 =	vld [tilespmem:s24+$0x200]  }
0x151: {  	v9 =	vld [tilespmem:s2+$0x200]  }
0x152: {  	[tilespmem:s9+$0x10200] =	vst v2;
	v3 =	vadd.f32 v4, v6;
	v4 =	vld [tilespmem:s2+$0x8200]  }
0x153: {  	v2 =	vld [tilespmem:s0+$0x200]  }
.Ltmp2:
0x154: {  	v6 =	vld [tilespmem:s0+$0x8200];
	[tilespmem:s23+$0x10200] =	vst v3;
	v7 =	vadd.f32 v8, v7;
	(pc) =	sbr.rel @p2 .LBB2_3-.Ltmp2, $4  }
0x155: {  	v3 =	vld [tilespmem:s21+$0x200]  }
0x156: {  	v8 =	vld [tilespmem:s21+$0x8200];
	[tilespmem:s29+$0x10200] =	vst v7;
	s29 =	smov.u32 s8  }
0x157: {  	v9 =	vadd.f32 v4, v9;
	v4 =	vld [tilespmem:s24+$0x8200]  }
0x158: {  	s5 =	sadd.s32 $0x40, s5;
	s26 =	sadd.s32 $0x200, s26;
	v7 =	vld [tilespmem:s25+$0x200]  }
0x159: {  	[tilespmem:s2+$0x10200] =	vst v9  }
0x15a: {  	v9 =	vld [tilespmem:s30+$0x200]  }
0x15b: {  	v10 =	vld [tilespmem:s30+$0x8200]  }
0x15c: {  	v2 =	vadd.f32 v6, v2;
	_ =	sdelay $0x1  }
0x15d: {  	v6 =	vld [tilespmem:s25+$0x8200];
	[tilespmem:s0+$0x10200] =	vst v2;
	v2 =	vadd.f32 v8, v3  }
0x15e: {  	v3 =	vld [tilespmem:s29+$0x200]  }
0x15f: {  	v8 =	vld [tilespmem:s29+$0x8200];
	[tilespmem:s21+$0x10200] =	vst v2;
	v2 =	vadd.f32 v10, v9  }
0x160: {  	v9 =	vld [tilespmem:s3+$0x200]  }
0x161: {  	[tilespmem:s30+$0x10200] =	vst v2;
	v2 =	vld [tilespmem:s3+$0x8200]  }
0x162: {  	v10 =	vld [tilespmem:s1+$0x200]  }
0x163: {  	v11 =	vld [tilespmem:s1+$0x8200]  }
0x164: {  	v4 =	vadd.f32 v4, v5  }
0x165: {  	v5 =	vadd.f32 v6, v7  }
0x166: {  	[tilespmem:s24+$0x10200] =	vst v4;
	v3 =	vadd.f32 v8, v3  }
0x167: {  	[tilespmem:s25+$0x10200] =	vst v5;
	v2 =	vadd.f32 v2, v9  }
0x168: {  	[tilespmem:s29+$0x10200] =	vst v3;
	v3 =	vadd.f32 v11, v10  }
0x169: {  	[tilespmem:s3+$0x10200] =	vst v2  }
0x16a: {  	[tilespmem:s1+$0x10200] =	vst v3  }
0x16b: {  	s5 =	sshll.u32 s6, $0xC;
	s1 =	rddreg [dreg:$0x13]  }
0x16c: {  	s7 =	simm.s32 $0x10200;
	p1 =	seq.s32 s6, $0xF;
	s24 =	sadd.s32 s5, s1  }
0x16d: {  	[hbm4b:s24+s4] =	stream.linear.scatter [tilespmem:s7], [sflag:$0x5], $0x4000, $0x38;
	[tilespmem:$0x18200] =	vst v63  }
0x16e: {  	v2 =	vld.msk @!p1 [tilespmem:s22+$0x10], $0xff;
	_ =	sdelay $0x4  }
0x16f: {  	v3 =	vshll.u32 @!p1 v2, $0x4  }
0x170: {  	v4 =	vlaneseq.u32 @!p1;
	v2 =	vand.u32 @!p1 $0x7, v2;
	v3 =	vand.u32 @!p1 $0xFFFFFF80, v3  }
0x171: {  	v2 =	vor.u32 @!p1 v2, v3;
	v3 =	vand.u32 @!p1 $0x7, v4;
	v4 =	vshrl.u32 @!p1 v4, $0x3  }
0x172: {  	v2 =	vperm.xlane @!p1 v2, v3;
	v4 =	vmul.u32 @!p1 $0x8, v4;
	_ =	sdelay $0x1  }
0x173: {  	v2 =	vadd.s32 @!p1 v4, v2;
	_ =	sdelay $0x3  }
0x174: {  	vm1 =	vmmov @!p1 $0xffff;
	s0 =	simm.s32 @!p1 $0x0;
	s1 =	simm.s32 @!p1 $0x200  }
0x175: {  	[tilespmem:s1], [sflag:$0x1] =	stream.indirect_vreg.gather @!p1 [hbm4b:s16+s0], $0x80, v2, vm1, $0xb8;
	[tilespmem:$0x18200] =	vst v63  }
0x176: {  	s2 =	rddreg [dreg:$0x8];
	s1 =	simm.s32 @!p1 $0xA00  }
0x177: {  	[tilespmem:s1], [sflag:$0x1] =	stream.indirect_vreg.gather @!p1 [hbm4b:s2+s0], $0x80, v2, vm1, $0xb8;
	[tilespmem:$0x18200] =	vst v63  }
0x178: {  	s1 =	simm.s32 @!p1 $0x1200;
	s2 =	rddreg [dreg:$0x9]  }
0x179: {  	[tilespmem:s1], [sflag:$0x1] =	stream.indirect_vreg.gather @!p1 [hbm4b:s2+s0], $0x80, v2, vm1, $0xb8;
	[tilespmem:$0x18200] =	vst v63  }
0x17a: {  	s1 =	simm.s32 @!p1 $0x1A00;
	s2 =	rddreg [dreg:$0xa]  }
0x17b: {  	[tilespmem:s1], [sflag:$0x1] =	stream.indirect_vreg.gather @!p1 [hbm4b:s2+s0], $0x80, v2, vm1, $0xb8;
	[tilespmem:$0x18200] =	vst v63  }
0x17c: {  	s1 =	simm.s32 @!p1 $0x2200;
	s2 =	rddreg [dreg:$0xb]  }
0x17d: {  	[tilespmem:s1], [sflag:$0x1] =	stream.indirect_vreg.gather @!p1 [hbm4b:s2+s0], $0x80, v2, vm1, $0xb8;
	[tilespmem:$0x18200] =	vst v63  }
0x17e: {  	s1 =	simm.s32 @!p1 $0x2A00;
	s2 =	rddreg [dreg:$0xc]  }
0x17f: {  	[tilespmem:s1], [sflag:$0x1] =	stream.indirect_vreg.gather @!p1 [hbm4b:s2+s0], $0x80, v2, vm1, $0xb8;
	[tilespmem:$0x18200] =	vst v63  }
0x180: {  	s1 =	simm.s32 @!p1 $0x3200;
	s2 =	rddreg [dreg:$0xd]  }
0x181: {  	[tilespmem:s1], [sflag:$0x1] =	stream.indirect_vreg.gather @!p1 [hbm4b:s2+s0], $0x80, v2, vm1, $0xb8;
	[tilespmem:$0x18200] =	vst v63  }
0x182: {  	s1 =	simm.s32 @!p1 $0x3A00;
	s2 =	rddreg [dreg:$0xe]  }
0x183: {  	[tilespmem:s1], [sflag:$0x1] =	stream.indirect_vreg.gather @!p1 [hbm4b:s2+s0], $0x80, v2, vm1, $0xb8;
	[tilespmem:$0x18200] =	vst v63  }
0x184: {  	v2 =	vld.msk @!p1 [tilespmem:s22+$0x110], $0xff;
	_ =	sdelay $0x4  }
0x185: {  	v5 =	vshll.u32 @!p1 v2, $0x4  }
0x186: {  	v2 =	vand.u32 @!p1 $0x7, v2;
	v5 =	vand.u32 @!p1 $0xFFFFFF80, v5  }
0x187: {  	v2 =	vor.u32 @!p1 v2, v5  }
0x188: {  	v2 =	vperm.xlane @!p1 v2, v3;
	_ =	sdelay $0x1  }
0x189: {  	v2 =	vadd.s32 @!p1 v4, v2;
	_ =	sdelay $0x3  }
0x18a: {  	s1 =	simm.s32 @!p1 $0x8200;
	s2 =	rddreg [dreg:$0x3]  }
0x18b: {  	[tilespmem:s1], [sflag:$0x3] =	stream.indirect_vreg.gather @!p1 [hbm4b:s2+s0], $0x80, v2, vm1, $0xb8;
	[tilespmem:$0x18200] =	vst v63  }
0x18c: {  	s1 =	simm.s32 @!p1 $0x8A00;
	s2 =	rddreg [dreg:$0xf]  }
0x18d: {  	[tilespmem:s1], [sflag:$0x3] =	stream.indirect_vreg.gather @!p1 [hbm4b:s2+s0], $0x80, v2, vm1, $0xb8;
	[tilespmem:$0x18200] =	vst v63  }
0x18e: {  	s1 =	simm.s32 @!p1 $0x9200;
	s2 =	rddreg [dreg:$0x10]  }
0x18f: {  	[tilespmem:s1], [sflag:$0x3] =	stream.indirect_vreg.gather @!p1 [hbm4b:s2+s0], $0x80, v2, vm1, $0xb8;
	[tilespmem:$0x18200] =	vst v63  }
0x190: {  	s1 =	simm.s32 @!p1 $0x9A00;
	s2 =	rddreg [dreg:$0x11]  }
0x191: {  	[tilespmem:s1], [sflag:$0x3] =	stream.indirect_vreg.gather @!p1 [hbm4b:s2+s0], $0x80, v2, vm1, $0xb8;
	[tilespmem:$0x18200] =	vst v63  }
0x192: {  	s1 =	simm.s32 @!p1 $0xA200;
	s2 =	rddreg [dreg:$0x12]  }
0x193: {  	[tilespmem:s1], [sflag:$0x3] =	stream.indirect_vreg.gather @!p1 [hbm4b:s2+s0], $0x80, v2, vm1, $0xb8;
	[tilespmem:$0x18200] =	vst v63  }
0x194: {  	s1 =	simm.s32 @!p1 $0xAA00  }
0x195: {  	[tilespmem:s1], [sflag:$0x3] =	stream.indirect_vreg.gather @!p1 [hbm4b:s18+s0], $0x80, v2, vm1, $0xb8;
	[tilespmem:$0x18200] =	vst v63  }
0x196: {  	s1 =	simm.s32 @!p1 $0xB200  }
0x197: {  	[tilespmem:s1], [sflag:$0x3] =	stream.indirect_vreg.gather @!p1 [hbm4b:s19+s0], $0x80, v2, vm1, $0xb8;
	[tilespmem:$0x18200] =	vst v63  }
0x198: {  	s8 =	simm.s32 $0x2;
	s1 =	simm.s32 @!p1 $0xBA00  }
0x199: {  	[tilespmem:s1], [sflag:$0x3] =	stream.indirect_vreg.gather @!p1 [hbm4b:s20+s0], $0x80, v2, vm1, $0xb8;
	[tilespmem:$0x18200] =	vst v63  }
0x19a: {  	_ =	swait.ge [sflag:s8], $0x4000  }
0x19b: {  	[sflag:s8] =	ssyncset.done $0x0  }
0x19c: {  	s9 =	simm.s32 $0x4;
	[sflag:s8] =	ssyncadd.s32 $0xFFFFC000  }
0x19d: {  	_ =	swait.ge [sflag:s9], $0x4000  }
0x19e: {  	[sflag:s9] =	ssyncset.done $0x0  }
0x19f: {  	s0 =	simm.s32 @!p0 $0x6;
	[sflag:s9] =	ssyncadd.s32 $0xFFFFC000  }
0x1a0: {  	s10 =	simm.s32 $0x0;
	_ =	swait.ge @!p0 [sflag:s0], $0x4000  }
0x1a1: {  	s11 =	sand.u32 $0x40, s10;
	s1 =	sand.u32 $0x3C00, s10;
	[sflag:s0] =	ssyncset.done @!p0 $0x0  }
0x1a2: {  	s2 =	sor.u32 s11, s1;
	[sflag:s0] =	ssyncadd.s32 @!p0 $0xFFFFC000  }
0x1a3: {  	v2 =	vld [tilespmem:s2+$0x4230]  }
0x1a4: {  	v3 =	vld [tilespmem:s2+$0xC230]  }
0x1a5: {  	v4 =	vld [tilespmem:s2+$0x42B0]  }
0x1a6: {  	v5 =	vld [tilespmem:s2+$0xC2B0]  }
0x1a7: {  	v6 =	vld [tilespmem:s2+$0x4330]  }
0x1a8: {  	v7 =	vld [tilespmem:s2+$0xC330]  }
0x1a9: {  	v8 =	vld [tilespmem:s2+$0x43B0]  }
0x1aa: {  	v9 =	vld [tilespmem:s2+$0xC3B0]  }
0x1ab: {  	v10 =	vld [tilespmem:s2+$0x4200]  }
0x1ac: {  	v11 =	vld [tilespmem:s2+$0xC200]  }
0x1ad: {  	v12 =	vld [tilespmem:s2+$0x4210]  }
0x1ae: {  	v13 =	vld [tilespmem:s2+$0xC210]  }
0x1af: {  	v14 =	vld [tilespmem:s2+$0x4290]  }
0x1b0: {  	v15 =	vld [tilespmem:s2+$0xC290]  }
0x1b1: {  	v16 =	vld [tilespmem:s2+$0x4310]  }
0x1b2: {  	v17 =	vld [tilespmem:s2+$0xC310]  }
0x1b3: {  	v18 =	vld [tilespmem:s2+$0x4390]  }
0x1b4: {  	v19 =	vld [tilespmem:s2+$0xC390]  }
0x1b5: {  	p0 =	por $0x0, $0x0;
	s0 =	simm.s32 $0x1;
	v2 =	vadd.f32 v3, v2;
	v3 =	vld [tilespmem:s2+$0x4280]  }
0x1b6: {  	s0 =	simm.s32 @!p0 $0x0;
	v4 =	vadd.f32 v5, v4;
	v5 =	vld [tilespmem:s2+$0xC280]  }
0x1b7: {  	s0 =	sshll.u32 s0, $0x6;
	[tilespmem:s2+$0x14230] =	vst v2;
	v2 =	vadd.f32 v7, v6;
	v6 =	vld [tilespmem:s2+$0x4300]  }
0x1b8: {  	s1 =	sadd.s32 $0x0, s0;
	[tilespmem:s2+$0x142B0] =	vst v4;
	v4 =	vadd.f32 v9, v8;
	v7 =	vld [tilespmem:s2+$0xC300]  }
0x1b9: {  	s5 =	sadd.s32 $0x30, s1;
	v9 =	vld [tilespmem:s2+$0xC380];
	[tilespmem:s2+$0x14330] =	vst v2  }
0x1ba: {  	s12 =	sor.u32 $0x4200, s5;
	v2 =	vld [tilespmem:s2+$0x4380];
	[tilespmem:s2+$0x143B0] =	vst v4  }
0x1bb: {  	v4 =	vld [tilespmem:s12+$0x200]  }
0x1bc: {  	v10 =	vadd.f32 v11, v10;
	v8 =	vld [tilespmem:s12+$0x8200]  }
0x1bd: {  	v11 =	vld [tilespmem:s2+$0x4220]  }
0x1be: {  	[tilespmem:s2+$0x14200] =	vst v10;
	v10 =	vld [tilespmem:s2+$0xC3A0];
	v3 =	vadd.f32 v5, v3  }
0x1bf: {  	v5 =	vld [tilespmem:s2+$0xC220];
	v6 =	vadd.f32 v7, v6  }
0x1c0: {  	v7 =	vld [tilespmem:s2+$0x42A0];
	[tilespmem:s2+$0x14280] =	vst v3;
	v2 =	vadd.f32 v9, v2  }
0x1c1: {  	[tilespmem:s2+$0x14300] =	vst v6;
	v3 =	vadd.f32 v8, v4;
	v4 =	vld [tilespmem:s2+$0xC2A0]  }
0x1c2: {  	v6 =	vld [tilespmem:s2+$0x4320];
	[tilespmem:s2+$0x14380] =	vst v2;
	v2 =	vadd.f32 v15, v14  }
0x1c3: {  	v8 =	vld [tilespmem:s2+$0xC320];
	[tilespmem:s12+$0x10200] =	vst v3;
	v3 =	vadd.f32 v13, v12  }
0x1c4: {  	v9 =	vld [tilespmem:s2+$0x43A0];
	[tilespmem:s2+$0x14290] =	vst v2;
	v2 =	vadd.f32 v19, v18  }
0x1c5: {  	s7 =	sor.u32 $0x4280, s5;
	[tilespmem:s2+$0x14210] =	vst v3;
	v3 =	vadd.f32 v17, v16  }
0x1c6: {  	v30 =	vld [tilespmem:s7+$0x200];
	[tilespmem:s2+$0x14390] =	vst v2;
	v2 =	vadd.f32 v4, v7  }
0x1c7: {  	s8 =	sor.u32 $0x4200, s1;
	[tilespmem:s2+$0x14310] =	vst v3;
	v3 =	vadd.f32 v5, v11;
	v5 =	vld [tilespmem:s7+$0x8200]  }
0x1c8: {  	s0 =	sadd.s32 $0x10, s1;
	v4 =	vadd.f32 v8, v6;
	[tilespmem:s2+$0x142A0] =	vst v2;
	v2 =	vld [tilespmem:s8+$0x8200]  }
0x1c9: {  	s9 =	sor.u32 $0x4200, s0;
	v6 =	vadd.f32 v10, v9;
	[tilespmem:s2+$0x14220] =	vst v3;
	v3 =	vld [tilespmem:s8+$0x200]  }
0x1ca: {  	s3 =	sadd.s32 $0x20, s1;
	v7 =	vld [tilespmem:s9+$0x200];
	[tilespmem:s2+$0x14320] =	vst v4  }
0x1cb: {  	s10 =	sor.u32 $0x4200, s3;
	v4 =	vld [tilespmem:s9+$0x8200];
	[tilespmem:s2+$0x143A0] =	vst v6  }
0x1cc: {  	v6 =	vld [tilespmem:s10+$0x200];
	v5 =	vadd.f32 v5, v30  }
0x1cd: {  	v8 =	vld [tilespmem:s10+$0x8200]  }
0x1ce: {  	s13 =	sor.u32 $0x4300, s5;
	[tilespmem:s7+$0x10200] =	vst v5;
	v2 =	vadd.f32 v2, v3  }
0x1cf: {  	v3 =	vld [tilespmem:s13+$0x200]  }
0x1d0: {  	s11 =	sor.u32 $0x4280, s1;
	v5 =	vld [tilespmem:s13+$0x8200];
	[tilespmem:s8+$0x10200] =	vst v2;
	v2 =	vadd.f32 v4, v7  }
0x1d1: {  	v4 =	vld [tilespmem:s11+$0x200]  }
0x1d2: {  	s14 =	sor.u32 $0x4280, s0;
	v7 =	vld [tilespmem:s11+$0x8200];
	[tilespmem:s9+$0x10200] =	vst v2;
	v2 =	vadd.f32 v8, v6  }
0x1d3: {  	s17 =	smov.u32 s16;
	v6 =	vld [tilespmem:s14+$0x200]  }
0x1d4: {  	s21 =	simm.s32 $0x40;
	s16 =	simm.s32 $0x200;
	s15 =	sor.u32 $0x4280, s3;
	v8 =	vld [tilespmem:s14+$0x8200];
	[tilespmem:s10+$0x10200] =	vst v2  }
0x1d5: {  	s8 =	sand.u32 $0x3C00, s16;
	v2 =	vadd.f32 v5, v3;
	s10 =	sand.u32 $0x40, s21;
	v5 =	vld [tilespmem:s15+$0x200]  }
0x1d6: {  	v9 =	vld [tilespmem:s15+$0x8200];
	s25 =	sor.u32 s10, s8  }
0x1d7: {  	v10 =	vld [tilespmem:s25+$0xC230]  }
0x1d8: {  	v11 =	vld [tilespmem:s25+$0x42B0]  }
0x1d9: {  	v31 =	vld [tilespmem:s25+$0xC2B0]  }
0x1da: {  	v32 =	vld [tilespmem:s25+$0x4330]  }
0x1db: {  	v33 =	vld [tilespmem:s25+$0xC330]  }
0x1dc: {  	v34 =	vld [tilespmem:s25+$0x43B0]  }
0x1dd: {  	v35 =	vld [tilespmem:s25+$0xC3B0]  }
0x1de: {  	v36 =	vld [tilespmem:s25+$0x4200]  }
0x1df: {  	v4 =	vadd.f32 v7, v4;
	v37 =	vld [tilespmem:s25+$0xC200]  }
0x1e0: {  	v38 =	vld [tilespmem:s25+$0xC280]  }
0x1e1: {  	v39 =	vld [tilespmem:s25+$0x4300];
	[tilespmem:s11+$0x10200] =	vst v4;
	v4 =	vadd.f32 v8, v6  }
0x1e2: {  	v40 =	vld [tilespmem:s25+$0xC300]  }
0x1e3: {  	[tilespmem:s14+$0x10200] =	vst v4;
	v4 =	vadd.f32 v9, v5;
	v9 =	vld [tilespmem:s25+$0x4230]  }
0x1e4: {  	v42 =	vld [tilespmem:s25+$0xC380]  }
0x1e5: {  	v43 =	vld [tilespmem:s25+$0x4210]  }
0x1e6: {  	v20 =	vld [tilespmem:s25+$0xC210]  }
0x1e7: {  	p0 =	por !p0, !p0;
	s8 =	simm.s32 $0x1;
	v21 =	vld [tilespmem:s25+$0x4290];
	v11 =	vadd.f32 v31, v11  }
0x1e8: {  	[tilespmem:s13+$0x10200] =	vst v2;
	s8 =	simm.s32 @!p0 $0x0;
	v22 =	vld [tilespmem:s25+$0xC290];
	v9 =	vadd.f32 v10, v9  }
0x1e9: {  	v44 =	vld [tilespmem:s25+$0x4310];
	s8 =	sshll.u32 s8, $0x6;
	[tilespmem:s25+$0x142B0] =	vst v11;
	v11 =	vadd.f32 v35, v34  }
0x1ea: {  	v23 =	vld [tilespmem:s25+$0xC310];
	s8 =	sadd.s32 $0x200, s8;
	[tilespmem:s25+$0x14230] =	vst v9;
	v9 =	vadd.f32 v33, v32  }
0x1eb: {  	v25 =	vld [tilespmem:s25+$0x4390];
	s26 =	sadd.s32 $0x30, s8;
	[tilespmem:s25+$0x143B0] =	vst v11  }
0x1ec: {  	v26 =	vld [tilespmem:s25+$0xC390];
	s13 =	sor.u32 $0x4200, s26;
	[tilespmem:s25+$0x14330] =	vst v9  }
0x1ed: {  	v11 =	vld [tilespmem:s13+$0x200]  }
0x1ee: {  	v41 =	vld [tilespmem:s13+$0x8200]  }
0x1ef: {  	v27 =	vld [tilespmem:s25+$0x4220]  }
0x1f0: {  	v45 =	vld [tilespmem:s25+$0xC220]  }
0x1f1: {  	v46 =	vld [tilespmem:s25+$0x42A0]  }
0x1f2: {  	v47 =	vld [tilespmem:s25+$0xC2A0]  }
0x1f3: {  	v50 =	vld [tilespmem:s25+$0xC320];
	v11 =	vadd.f32 v41, v11  }
0x1f4: {  	v52 =	vld [tilespmem:s25+$0x43A0]  }
0x1f5: {  	v53 =	vld [tilespmem:s25+$0xC3A0];
	s14 =	sor.u32 $0x4280, s26;
	[tilespmem:s13+$0x10200] =	vst v11  }
0x1f6: {  	v11 =	vld [tilespmem:s14+$0x200]  }
0x1f7: {  	v24 =	vld [tilespmem:s14+$0x8200]  }
0x1f8: {  	s5 =	sor.u32 $0x4380, s5;
	v10 =	vld [tilespmem:s25+$0x4280]  }
0x1f9: {  	v2 =	vld [tilespmem:s5+$0x200];
	v17 =	vadd.f32 v37, v36  }
0x1fa: {  	v13 =	vadd.f32 v40, v39;
	[tilespmem:s15+$0x10200] =	vst v4;
	v9 =	vld [tilespmem:s25+$0x4380]  }
0x1fb: {  	s7 =	sor.u32 $0x4300, s1;
	v3 =	vld [tilespmem:s5+$0x8200];
	v48 =	vadd.f32 v20, v43;
	[tilespmem:s25+$0x14200] =	vst v17  }
0x1fc: {  	v6 =	vld [tilespmem:s7+$0x200];
	[tilespmem:s25+$0x14300] =	vst v13;
	v11 =	vadd.f32 v24, v11  }
0x1fd: {  	s2 =	sor.u32 $0x4300, s0;
	v7 =	vld [tilespmem:s7+$0x8200];
	[tilespmem:s25+$0x14210] =	vst v48;
	v10 =	vadd.f32 v38, v10  }
0x1fe: {  	s12 =	sor.u32 $0x4300, s26;
	v5 =	vld [tilespmem:s2+$0x200];
	v51 =	vadd.f32 v23, v44;
	[tilespmem:s14+$0x10200] =	vst v11  }
0x1ff: {  	[tilespmem:s25+$0x14280] =	vst v10;
	v9 =	vadd.f32 v42, v9;
	v10 =	vld [tilespmem:s12+$0x200]  }
0x200: {  	v54 =	vadd.f32 v45, v27;
	[tilespmem:s25+$0x14310] =	vst v51;
	v49 =	vld [tilespmem:s12+$0x8200]  }
0x201: {  	v8 =	vld [tilespmem:s2+$0x8200];
	[tilespmem:s25+$0x14380] =	vst v9;
	v9 =	vadd.f32 v22, v21  }
0x202: {  	s23 =	sor.u32 $0x4300, s3;
	v12 =	vadd.f32 v47, v46;
	[tilespmem:s25+$0x14220] =	vst v54;
	v11 =	vld [tilespmem:s25+$0x4320]  }
0x203: {  	v4 =	vld [tilespmem:s23+$0x200];
	s13 =	sor.u32 $0x4200, s8;
	[tilespmem:s25+$0x14290] =	vst v9;
	v9 =	vadd.f32 v26, v25  }
0x204: {  	s10 =	sadd.s32 $0x10, s8;
	v57 =	vadd.f32 v53, v52;
	[tilespmem:s25+$0x142A0] =	vst v12;
	v55 =	vld [tilespmem:s13+$0x200]  }
0x205: {  	[tilespmem:s25+$0x14390] =	vst v9;
	s14 =	sor.u32 $0x4200, s10;
	v9 =	vadd.f32 v49, v10;
	v10 =	vld [tilespmem:s13+$0x8200]  }
0x206: {  	[tilespmem:s25+$0x143A0] =	vst v57;
	v6 =	vadd.f32 v7, v6;
	v56 =	vld [tilespmem:s14+$0x200]  }
0x207: {  	v11 =	vadd.f32 v50, v11;
	[tilespmem:s12+$0x10200] =	vst v9;
	v9 =	vld [tilespmem:s14+$0x8200]  }
0x208: {  	s1 =	sor.u32 $0x4380, s1;
	s15 =	sadd.s32 $0x20, s8;
	v59 =	vld [tilespmem:s23+$0x8200];
	[tilespmem:s7+$0x10200] =	vst v6;
	v5 =	vadd.f32 v8, v5  }
0x209: {  	s16 =	sor.u32 $0x4200, s15;
	v62 =	vld [tilespmem:s1+$0x8200];
	[tilespmem:s25+$0x14320] =	vst v11  }
0x20a: {  	[tilespmem:s2+$0x10200] =	vst v5;
	s25 =	sor.u32 $0x4380, s0;
	v60 =	vld [tilespmem:s16+$0x200];
	v10 =	vadd.f32 v10, v55  }
0x20b: {  	v5 =	vld [tilespmem:s25+$0x200]  }
0x20c: {  	s21 =	sor.u32 $0x4280, s8;
	[tilespmem:s13+$0x10200] =	vst v10;
	v9 =	vadd.f32 v9, v56;
	v10 =	vld [tilespmem:s16+$0x8200]  }
0x20d: {  	v61 =	vld [tilespmem:s21+$0x200]  }
0x20e: {  	s11 =	sor.u32 $0x4380, s26;
	s26 =	sor.u32 $0x4280, s10;
	v7 =	vld [tilespmem:s21+$0x8200];
	[tilespmem:s14+$0x10200] =	vst v9  }
0x20f: {  	v9 =	vld [tilespmem:s26+$0x200]  }
0x210: {  	v6 =	vld [tilespmem:s26+$0x8200]  }
0x211: {  	v58 =	vld [tilespmem:s11+$0x200];
	v8 =	vadd.f32 v10, v60  }
0x212: {  	v11 =	vld [tilespmem:s11+$0x8200]  }
0x213: {  	s0 =	sor.u32 $0x4280, s15;
	v10 =	vld [tilespmem:s1+$0x200];
	v7 =	vadd.f32 v7, v61;
	[tilespmem:s16+$0x10200] =	vst v8  }
0x214: {  	v3 =	vadd.f32 v3, v2;
	v63 =	vld [tilespmem:s0+$0x200]  }
0x215: {  	s28 =	sor.u32 $0x4300, s8;
	[tilespmem:s21+$0x10200] =	vst v7;
	v6 =	vadd.f32 v6, v9;
	v7 =	vld [tilespmem:s0+$0x8200]  }
0x216: {  	[tilespmem:s5+$0x10200] =	vst v3;
	v4 =	vadd.f32 v59, v4;
	v2 =	vld [tilespmem:s28+$0x200]  }
0x217: {  	s2 =	sor.u32 $0x4300, s10;
	v8 =	vadd.f32 v11, v58;
	[tilespmem:s26+$0x10200] =	vst v6;
	v6 =	vld [tilespmem:s28+$0x8200]  }
0x218: {  	[tilespmem:s23+$0x10200] =	vst v4;
	v9 =	vadd.f32 v62, v10;
	v3 =	vld [tilespmem:s2+$0x200]  }
0x219: {  	s29 =	sor.u32 $0x4380, s3;
	s30 =	sor.u32 $0x4380, s8;
	[tilespmem:s11+$0x10200] =	vst v8;
	v8 =	vld [tilespmem:s2+$0x8200]  }
0x21a: {  	s31 =	sor.u32 $0x4300, s15;
	s3 =	sor.u32 $0x4380, s15;
	s5 =	simm.s32 $0x400;
	v4 =	vld [tilespmem:s25+$0x8200];
	[tilespmem:s1+$0x10200] =	vst v9;
	v9 =	vadd.f32 v7, v63  }
0x21b: {  	s21 =	sor.u32 $0x4380, s10;
	s26 =	simm.s32 $0x4;
	s1 =	simm.s32 $0x80;
	v7 =	vld [tilespmem:s29+$0x200]  }
.LBB2_5:
0x21c: {  	s7 =	sand.u32 $0x40, s1;
	s8 =	sand.u32 $0x3C00, s5;
	v6 =	vadd.f32 v6, v2;
	[tilespmem:s0+$0x10200] =	vst v9;
	v9 =	vld [tilespmem:s29+$0x8200]  }
0x21d: {  	s23 =	sor.u32 s7, s8;
	v2 =	vld [tilespmem:s31+$0x200]  }
0x21e: {  	v10 =	vld [tilespmem:s23+$0x4230];
	[tilespmem:s28+$0x10200] =	vst v6;
	v3 =	vadd.f32 v8, v3  }
0x21f: {  	v6 =	vld [tilespmem:s23+$0xC230];
	v4 =	vadd.f32 v4, v5  }
0x220: {  	v5 =	vld [tilespmem:s23+$0x42B0];
	[tilespmem:s2+$0x10200] =	vst v3  }
0x221: {  	v3 =	vld [tilespmem:s23+$0xC2B0];
	[tilespmem:s25+$0x10200] =	vst v4;
	v4 =	vadd.f32 v9, v7;
	s25 =	smov.u32 s21  }
0x222: {  	v7 =	vld [tilespmem:s23+$0x4330]  }
0x223: {  	v8 =	vld [tilespmem:s23+$0xC330];
	[tilespmem:s29+$0x10200] =	vst v4;
	s29 =	smov.u32 s3  }
0x224: {  	v4 =	vld [tilespmem:s23+$0x43B0]  }
0x225: {  	v9 =	vld [tilespmem:s23+$0xC3B0]  }
0x226: {  	v11 =	vld [tilespmem:s23+$0x4200]  }
0x227: {  	s26 =	sadd.s32 $0x4, s26;
	p0 =	por !p0, !p0;
	s0 =	simm.s32 $0x1;
	v6 =	vadd.f32 v6, v10;
	v12 =	vld [tilespmem:s23+$0xC200]  }
0x228: {  	s0 =	simm.s32 @!p0 $0x0;
	p2 =	slt.u32 s26, $0x7C;
	v3 =	vadd.f32 v3, v5;
	v10 =	vld [tilespmem:s23+$0x4280]  }
0x229: {  	s0 =	sshll.u32 s0, $0x6;
	v5 =	vld [tilespmem:s23+$0xC280];
	[tilespmem:s23+$0x14230] =	vst v6;
	v6 =	vadd.f32 v8, v7  }
0x22a: {  	s9 =	sadd.s32 s0, s5;
	v7 =	vld [tilespmem:s23+$0x4300];
	[tilespmem:s23+$0x142B0] =	vst v3;
	v3 =	vadd.f32 v9, v4  }
0x22b: {  	s15 =	sadd.s32 $0x20, s9;
	s14 =	sadd.s32 $0x30, s9;
	s3 =	sadd.s32 $0x10, s9;
	v4 =	vld [tilespmem:s23+$0xC300];
	[tilespmem:s23+$0x14330] =	vst v6  }
0x22c: {  	s8 =	sor.u32 $0x4200, s15;
	s16 =	sor.u32 $0x4200, s14;
	s11 =	sor.u32 $0x4200, s3;
	v6 =	vadd.f32 v12, v11;
	v8 =	vld [tilespmem:s23+$0x4380];
	[tilespmem:s23+$0x143B0] =	vst v3  }
0x22d: {  	s13 =	sor.u32 $0x4200, s9;
	s0 =	sor.u32 $0x4280, s15;
	s7 =	sor.u32 $0x4280, s3;
	v3 =	vld [tilespmem:s16+$0x200]  }
0x22e: {  	s10 =	sor.u32 $0x4280, s9;
	s12 =	sor.u32 $0x4300, s15;
	s2 =	sor.u32 $0x4300, s3;
	[tilespmem:s23+$0x14200] =	vst v6;
	v5 =	vadd.f32 v5, v10;
	v6 =	vld [tilespmem:s16+$0x8200]  }
0x22f: {  	s28 =	sor.u32 $0x4300, s9;
	s21 =	sor.u32 $0x4380, s3;
	s3 =	sor.u32 $0x4380, s15;
	v9 =	vld [tilespmem:s23+$0xC380]  }
0x230: {  	s9 =	sor.u32 $0x4380, s9;
	[tilespmem:s23+$0x14280] =	vst v5;
	v4 =	vadd.f32 v4, v7;
	v5 =	vld [tilespmem:s23+$0x4210]  }
0x231: {  	v7 =	vld [tilespmem:s23+$0xC210]  }
0x232: {  	[tilespmem:s23+$0x14300] =	vst v4;
	v4 =	vld [tilespmem:s23+$0x4290]  }
0x233: {  	v10 =	vld [tilespmem:s23+$0xC290];
	v3 =	vadd.f32 v6, v3  }
0x234: {  	v6 =	vadd.f32 v9, v8;
	v8 =	vld [tilespmem:s23+$0x4310]  }
0x235: {  	s15 =	sor.u32 $0x4280, s14;
	v9 =	vld [tilespmem:s23+$0xC310];
	[tilespmem:s16+$0x10200] =	vst v3  }
0x236: {  	[tilespmem:s23+$0x14380] =	vst v6;
	v3 =	vadd.f32 v7, v5;
	v5 =	vld [tilespmem:s15+$0x200]  }
0x237: {  	v6 =	vld [tilespmem:s15+$0x8200]  }
0x238: {  	[tilespmem:s23+$0x14210] =	vst v3;
	v3 =	vadd.f32 v10, v4;
	v4 =	vld [tilespmem:s23+$0x4390]  }
0x239: {  	v7 =	vld [tilespmem:s23+$0xC390]  }
0x23a: {  	[tilespmem:s23+$0x14290] =	vst v3;
	v3 =	vadd.f32 v9, v8;
	v8 =	vld [tilespmem:s23+$0x4220]  }
0x23b: {  	v9 =	vld [tilespmem:s23+$0xC220]  }
0x23c: {  	[tilespmem:s23+$0x14310] =	vst v3;
	v3 =	vld [tilespmem:s23+$0x42A0];
	v5 =	vadd.f32 v6, v5  }
0x23d: {  	v6 =	vld [tilespmem:s23+$0xC2A0]  }
0x23e: {  	v4 =	vadd.f32 v7, v4;
	v7 =	vld [tilespmem:s23+$0x4320];
	[tilespmem:s15+$0x10200] =	vst v5;
	s15 =	sor.u32 $0x4300, s14  }
0x23f: {  	v5 =	vld [tilespmem:s15+$0x200]  }
0x240: {  	[tilespmem:s23+$0x14390] =	vst v4;
	v4 =	vadd.f32 v9, v8;
	v8 =	vld [tilespmem:s15+$0x8200]  }
0x241: {  	v9 =	vld [tilespmem:s23+$0xC320]  }
0x242: {  	[tilespmem:s23+$0x14220] =	vst v4;
	v3 =	vadd.f32 v6, v3;
	v4 =	vld [tilespmem:s23+$0x43A0]  }
0x243: {  	v6 =	vld [tilespmem:s23+$0xC3A0]  }
0x244: {  	v10 =	vld [tilespmem:s13+$0x200];
	[tilespmem:s23+$0x142A0] =	vst v3  }
0x245: {  	v3 =	vld [tilespmem:s13+$0x8200];
	v5 =	vadd.f32 v8, v5  }
0x246: {  	v8 =	vld [tilespmem:s11+$0x200];
	v7 =	vadd.f32 v9, v7  }
0x247: {  	s14 =	sor.u32 $0x4380, s14;
	v9 =	vld [tilespmem:s11+$0x8200];
	[tilespmem:s15+$0x10200] =	vst v5  }
0x248: {  	[tilespmem:s23+$0x14320] =	vst v7;
	v4 =	vadd.f32 v6, v4;
	v5 =	vld [tilespmem:s14+$0x200]  }
0x249: {  	v6 =	vld [tilespmem:s14+$0x8200]  }
0x24a: {  	v3 =	vadd.f32 v3, v10;
	[tilespmem:s23+$0x143A0] =	vst v4;
	v4 =	vld [tilespmem:s31+$0x8200]  }
0x24b: {  	v7 =	vld [tilespmem:s8+$0x200]  }
0x24c: {  	[tilespmem:s13+$0x10200] =	vst v3;
	v3 =	vadd.f32 v9, v8;
	v8 =	vld [tilespmem:s8+$0x8200]  }
0x24d: {  	v9 =	vld [tilespmem:s10+$0x200]  }
0x24e: {  	v10 =	vld [tilespmem:s10+$0x8200];
	[tilespmem:s11+$0x10200] =	vst v3;
	v3 =	vadd.f32 v6, v5  }
0x24f: {  	v6 =	vld [tilespmem:s7+$0x200];
	v2 =	vadd.f32 v4, v2  }
0x250: {  	v4 =	vld [tilespmem:s7+$0x8200];
	[tilespmem:s14+$0x10200] =	vst v3  }
0x251: {  	v3 =	vadd.f32 v8, v7;
	v7 =	vld [tilespmem:s30+$0x200];
	[tilespmem:s31+$0x10200] =	vst v2;
	s31 =	smov.u32 s12  }
0x252: {  	v8 =	vld [tilespmem:s30+$0x8200]  }
0x253: {  	v2 =	vadd.f32 v10, v9;
	[tilespmem:s8+$0x10200] =	vst v3;
	v5 =	vld [tilespmem:s25+$0x200]  }
0x254: {  	v9 =	vld [tilespmem:s0+$0x200]  }
0x255: {  	[tilespmem:s10+$0x10200] =	vst v2;
	v3 =	vadd.f32 v4, v6;
	v4 =	vld [tilespmem:s0+$0x8200]  }
0x256: {  	v2 =	vld [tilespmem:s28+$0x200]  }
.Ltmp3:
0x257: {  	v6 =	vld [tilespmem:s28+$0x8200];
	[tilespmem:s7+$0x10200] =	vst v3;
	v7 =	vadd.f32 v8, v7;
	(pc) =	sbr.rel @p2 .LBB2_5-.Ltmp3, $4  }
0x258: {  	v3 =	vld [tilespmem:s2+$0x200]  }
0x259: {  	v8 =	vld [tilespmem:s2+$0x8200];
	[tilespmem:s30+$0x10200] =	vst v7;
	s30 =	smov.u32 s9  }
0x25a: {  	v9 =	vadd.f32 v4, v9;
	v4 =	vld [tilespmem:s25+$0x8200]  }
0x25b: {  	s1 =	sadd.s32 $0x40, s1;
	s5 =	sadd.s32 $0x200, s5;
	v7 =	vld [tilespmem:s29+$0x200]  }
0x25c: {  	[tilespmem:s0+$0x10200] =	vst v9  }
0x25d: {  	v9 =	vld [tilespmem:s31+$0x200]  }
0x25e: {  	v10 =	vld [tilespmem:s31+$0x8200]  }
0x25f: {  	v2 =	vadd.f32 v6, v2;
	_ =	sdelay $0x1  }
0x260: {  	v59 =	vld [tilespmem:s29+$0x8200];
	[tilespmem:s28+$0x10200] =	vst v2;
	v2 =	vadd.f32 v8, v3  }
0x261: {  	v3 =	vld [tilespmem:s30+$0x200]  }
0x262: {  	v60 =	vld [tilespmem:s30+$0x8200];
	[tilespmem:s2+$0x10200] =	vst v2;
	v2 =	vadd.f32 v10, v9  }
0x263: {  	v61 =	vld [tilespmem:s21+$0x200]  }
0x264: {  	[tilespmem:s31+$0x10200] =	vst v2;
	v2 =	vld [tilespmem:s21+$0x8200]  }
0x265: {  	v62 =	vld [tilespmem:s3+$0x200]  }
0x266: {  	v11 =	vld [tilespmem:s3+$0x8200]  }
0x267: {  	v4 =	vadd.f32 v4, v5  }
0x268: {  	v63 =	vadd.f32 v59, v7  }
0x269: {  	[tilespmem:s25+$0x10200] =	vst v4;
	v3 =	vadd.f32 v60, v3  }
.Ltmp4:
0x26a: {  	[tilespmem:s29+$0x10200] =	vst v63;
	v2 =	vadd.f32 v2, v61;
	(pc) =	sbr.rel @p1 .LBB2_8-.Ltmp4, $4  }
0x26b: {  	[tilespmem:s30+$0x10200] =	vst v3;
	v3 =	vadd.f32 v11, v62  }
0x26c: {  	[tilespmem:s21+$0x10200] =	vst v2  }
0x26d: {  	s1 =	simm.s32 $0x14200;
	s31 =	sadd.s32 $0x800, s24;
	[tilespmem:s3+$0x10200] =	vst v3  }
0x26e: {  	[hbm4b:s31+s4] =	stream.linear.scatter [tilespmem:s1], [sflag:$0x6], $0x4000, $0x38;
	[tilespmem:$0x18200] =	vst v63  }
0x26f: {  	v2 =	vld.msk [tilespmem:s22+$0x18], $0xff;
	_ =	sdelay $0x4  }
0x270: {  	v3 =	vshll.u32 v2, $0x4  }
0x271: {  	v2 =	vand.u32 $0x7, v2;
	v3 =	vand.u32 $0xFFFFFF80, v3  }
0x272: {  	v2 =	vor.u32 v2, v3  }
0x273: {  	v2 =	vperm.xlane v2, v0;
	_ =	sdelay $0x1  }
0x274: {  	v2 =	vadd.s32 v1, v2;
	_ =	sdelay $0x3  }
0x275: {  	s0 =	simm.s32 $0x4200  }
0x276: {  	[tilespmem:s0], [sflag:$0x2] =	stream.indirect_vreg.gather [hbm4b:s17+s4], $0x80, v2, vm0, $0xb8;
	[tilespmem:$0x18200] =	vst v63  }
0x277: {  	s29 =	rddreg [dreg:$0x8];
	s1 =	simm.s32 $0x4A00  }
0x278: {  	[tilespmem:s1], [sflag:$0x2] =	stream.indirect_vreg.gather [hbm4b:s29+s4], $0x80, v2, vm0, $0xb8;
	[tilespmem:$0x18200] =	vst v63  }
0x279: {  	s30 =	rddreg [dreg:$0x9];
	s31 =	simm.s32 $0x5200  }
0x27a: {  	[tilespmem:s31], [sflag:$0x2] =	stream.indirect_vreg.gather [hbm4b:s30+s4], $0x80, v2, vm0, $0xb8;
	[tilespmem:$0x18200] =	vst v63  }
0x27b: {  	s2 =	rddreg [dreg:$0xa];
	s3 =	simm.s32 $0x5A00  }
0x27c: {  	[tilespmem:s3], [sflag:$0x2] =	stream.indirect_vreg.gather [hbm4b:s2+s4], $0x80, v2, vm0, $0xb8;
	[tilespmem:$0x18200] =	vst v63  }
0x27d: {  	s5 =	rddreg [dreg:$0xb];
	s7 =	simm.s32 $0x6200  }
0x27e: {  	[tilespmem:s7], [sflag:$0x2] =	stream.indirect_vreg.gather [hbm4b:s5+s4], $0x80, v2, vm0, $0xb8;
	[tilespmem:$0x18200] =	vst v63  }
0x27f: {  	s8 =	rddreg [dreg:$0xc];
	s9 =	simm.s32 $0x6A00  }
0x280: {  	[tilespmem:s9], [sflag:$0x2] =	stream.indirect_vreg.gather [hbm4b:s8+s4], $0x80, v2, vm0, $0xb8;
	[tilespmem:$0x18200] =	vst v63  }
0x281: {  	s10 =	rddreg [dreg:$0xd];
	s11 =	simm.s32 $0x7200  }
0x282: {  	[tilespmem:s11], [sflag:$0x2] =	stream.indirect_vreg.gather [hbm4b:s10+s4], $0x80, v2, vm0, $0xb8;
	[tilespmem:$0x18200] =	vst v63  }
0x283: {  	s12 =	rddreg [dreg:$0xe];
	s13 =	simm.s32 $0x7A00  }
0x284: {  	[tilespmem:s13], [sflag:$0x2] =	stream.indirect_vreg.gather [hbm4b:s12+s4], $0x80, v2, vm0, $0xb8;
	[tilespmem:$0x18200] =	vst v63  }
0x285: {  	v2 =	vld.msk [tilespmem:s22+$0x118], $0xff;
	_ =	sdelay $0x4  }
0x286: {  	v3 =	vshll.u32 v2, $0x4  }
0x287: {  	v2 =	vand.u32 $0x7, v2;
	v3 =	vand.u32 $0xFFFFFF80, v3  }
0x288: {  	v2 =	vor.u32 v2, v3  }
0x289: {  	v2 =	vperm.xlane v2, v0;
	_ =	sdelay $0x1  }
0x28a: {  	v2 =	vadd.s32 v1, v2;
	_ =	sdelay $0x3  }
0x28b: {  	s14 =	rddreg [dreg:$0x3];
	s15 =	simm.s32 $0xC200  }
0x28c: {  	[tilespmem:s15], [sflag:$0x4] =	stream.indirect_vreg.gather [hbm4b:s14+s4], $0x80, v2, vm0, $0xb8;
	[tilespmem:$0x18200] =	vst v63  }
0x28d: {  	s16 =	smov.u32 s17;
	s21 =	simm.s32 $0xCA00;
	s17 =	rddreg [dreg:$0xf]  }
0x28e: {  	[tilespmem:s21], [sflag:$0x4] =	stream.indirect_vreg.gather [hbm4b:s17+s4], $0x80, v2, vm0, $0xb8;
	[tilespmem:$0x18200] =	vst v63  }
0x28f: {  	s23 =	simm.s32 $0xD200;
	s22 =	rddreg [dreg:$0x10]  }
0x290: {  	[tilespmem:s23], [sflag:$0x4] =	stream.indirect_vreg.gather [hbm4b:s22+s4], $0x80, v2, vm0, $0xb8;
	[tilespmem:$0x18200] =	vst v63  }
0x291: {  	s24 =	rddreg [dreg:$0x11];
	s25 =	simm.s32 $0xDA00  }
0x292: {  	[tilespmem:s25], [sflag:$0x4] =	stream.indirect_vreg.gather [hbm4b:s24+s4], $0x80, v2, vm0, $0xb8;
	[tilespmem:$0x18200] =	vst v63  }
0x293: {  	s26 =	rddreg [dreg:$0x12];
	s28 =	simm.s32 $0xE200  }
0x294: {  	[tilespmem:s28], [sflag:$0x4] =	stream.indirect_vreg.gather [hbm4b:s26+s4], $0x80, v2, vm0, $0xb8;
	[tilespmem:$0x18200] =	vst v63  }
0x295: {  	s29 =	simm.s32 $0xEA00  }
0x296: {  	[tilespmem:s29], [sflag:$0x4] =	stream.indirect_vreg.gather [hbm4b:s18+s4], $0x80, v2, vm0, $0xb8;
	[tilespmem:$0x18200] =	vst v63  }
.Ltmp5:
0x297: {  	_ = 	snop;
	(pc) =	sbr.rel .LBB2_2-.Ltmp5, $4  }
0x298: {  	s30 =	simm.s32 $0xF200  }
0x299: {  	[tilespmem:s30], [sflag:$0x4] =	stream.indirect_vreg.gather [hbm4b:s19+s4], $0x80, v2, vm0, $0xb8;
	[tilespmem:$0x18200] =	vst v63  }
0x29a: {  	s6 =	sadd.s32 $0x1, s6;
	s31 =	simm.s32 $0xFA00  }
0x29b: {  	[tilespmem:s31], [sflag:$0x4] =	stream.indirect_vreg.gather [hbm4b:s20+s4], $0x80, v2, vm0, $0xb8;
	[tilespmem:$0x18200] =	vst v63  }
.LBB2_9:
0x29c: {  	_ =	sfence.sel $0x180000  }
0x29d: {  	[bflag:$0x0] =	sbarrier.arrive $0xFFFF  }
0x29e: {  	_ =	strace $0x90000047  }
0x29f: {  	s0 =	stileid.u32;
	[bflag:$0x2] =	sbarrier.arrive $0xFFFF  }
0x2a0: {  	p0 =	sne.s32 s0, $0x0;
	s0 =	rddreg [dreg:$0x5]  }
0x2a1: {  	s0 =	sadd.s32 @!p0 $0x100000, s0  }
0x2a2: {  	[sflag:s0] =	ssyncadd.tile.s32 @!p0 $0x1;
	_ =	shalt  }
.Lfunc_end2:
_tile_overlayer_lowered:
.L_overlay_start_2:
0x2a3: {  	(tag) =	ssettag $0x2  }
0x2a4: {  	s0 =	rddreg [dreg:$0x0];
	s2 =	stileid.u32  }
0x2a5: {  	s1 =	rddreg [dreg:$0x1];
	p0 =	sne.s32 s2, $0x0  }
0x2a6: {  	s3 =	rddreg [dreg:$0x2];
	[bflag:$0x3] =	sbarrier.arrive $0xFFFF;
	s2 =	simm.s32 @!p0 $0x1C07  }
0x2a7: {  	[timem:s3], [sflag:s2] =	dma.local @!p0 [hbm:s0], s1  }
0x2a8: {  	s0 =	simm.s32 @!p0 $0x7  }
0x2a9: {  	_ =	swait.ge @!p0 [sflag:s0], s1  }
0x2aa: {  	s1 =	ssub.s32 @!p0 $0x0, s1;
	[sflag:s0] =	ssyncset.done @!p0 $0x0  }
0x2ab: {  	[sflag:s0] =	ssyncadd.s32 @!p0 s1  }
0x2ac: {  	[bflag:$0x3] =	sbarrier.arrive $0xFFFF  }
0x2ad: {  	_ =	shalt  }

</sc_bundles>
